<compile_context>
chip_gen: v7x
topology: tpu7x:2x2x1
jax: 0.10.2.dev20260603
libtpu: 0.0.44.dev20260713+nightly
codegen_flags: <defaults>
</compile_context>

<pallas_src>
import functools

import numpy as np
import jax
import jax.numpy as jnp
from jax import lax
from jax.experimental import pallas as pl
from jax.experimental.pallas import tpu as pltpu
from jax.experimental.pallas import tpu_sc as plsc

_NUM_SELECT = 50000
_NUM_COLS = 100000
_NUM_ROWS = 128


def _rotl(x, r):
    return ((x << np.uint32(r)) | (x >> np.uint32(32 - r))).astype(np.uint32)


def _threefry2x32(k0, k1, x0, x1):
    rot_a = (13, 15, 26, 6)
    rot_b = (17, 29, 16, 24)
    ks = [np.uint32(k0), np.uint32(k1),
          np.uint32(np.uint32(k0) ^ np.uint32(k1) ^ np.uint32(0x1BD11BDA))]
    x0 = (x0 + ks[0]).astype(np.uint32)
    x1 = (x1 + ks[1]).astype(np.uint32)
    for i, rots in enumerate((rot_a, rot_b, rot_a, rot_b, rot_a)):
        for r in rots:
            x0 = (x0 + x1).astype(np.uint32)
            x1 = _rotl(x1, r)
            x1 = x1 ^ x0
        x0 = (x0 + ks[(i + 1) % 3]).astype(np.uint32)
        x1 = (x1 + ks[(i + 2) % 3] + np.uint32(i + 1)).astype(np.uint32)
    return x0, x1


def _random_bits(k0, k1, n):
    hi = np.zeros(n, np.uint32)
    lo = np.arange(n, dtype=np.uint32)
    b0, b1 = _threefry2x32(k0, k1, hi, lo)
    return b0 ^ b1


def _split(k0, k1):
    hi = np.zeros(2, np.uint32)
    lo = np.arange(2, dtype=np.uint32)
    b0, b1 = _threefry2x32(k0, k1, hi, lo)
    return (b0[0], b1[0]), (b0[1], b1[1])


@functools.cache
def _select_indices() -> np.ndarray:
    n = _NUM_COLS
    key = (np.uint32(0), np.uint32(42))
    num_rounds = int(np.ceil(3 * np.log(max(1, n)) /
                             np.log(np.iinfo(np.uint32).max)))
    x = np.arange(n, dtype=np.int32)
    for _ in range(num_rounds):
        key, subkey = _split(*key)
        sort_keys = _random_bits(subkey[0], subkey[1], n)
        x = x[np.argsort(sort_keys, kind="stable")]
    return np.ascontiguousarray(x[:_NUM_SELECT])


_NBATCH = 391
_MAXK = 13


@functools.cache
def _batched_indices() -> np.ndarray:
    idx = np.zeros((_NBATCH * 128,), dtype=np.int32)
    idx[:_NUM_SELECT] = _select_indices()
    arr = np.zeros((32, _MAXK, 128), dtype=np.int32)
    for w in range(32):
        for k in range(_MAXK):
            bid = w + 32 * k
            if bid < _NBATCH:
                arr[w, k] = idx[bid * 128:(bid + 1) * 128]
    return arr


def _sc_gather_t(xt, idxb):
    mesh = plsc.VectorSubcoreMesh(core_axis_name="c", subcore_axis_name="s")

    @functools.partial(
        pl.kernel,
        mesh=mesh,
        out_type=jax.ShapeDtypeStruct((_NUM_SELECT, 128), jnp.float32),
        scratch_types=[
            pltpu.VMEM((_MAXK, 128), jnp.int32),
            pltpu.VMEM((2, 128, 128), jnp.float32),
            pltpu.SemaphoreType.DMA,
            pltpu.SemaphoreType.DMA,
            pltpu.SemaphoreType.DMA,
            pltpu.SemaphoreType.DMA,
            pltpu.SemaphoreType.DMA,
        ],
    )
    def k(xt_hbm, idxb_hbm, out_hbm, idxv, dstv,
          sem_i, sem_g0, sem_g1, sem_o0, sem_o1):
        ci = lax.axis_index("c")
        si = lax.axis_index("s")
        w = si * 2 + ci
        g_sems = (sem_g0, sem_g1)
        o_sems = (sem_o0, sem_o1)

        pltpu.async_copy(idxb_hbm.at[w], idxv, sem_i).wait()

        pending = [None, None]
        gathers = []
        for kk in range(12):
            b = kk % 2
            if pending[b] is not None:
                pending[b].wait()
                pending[b] = None
            gathers.append(
                pltpu.async_copy(
                    xt_hbm.at[idxv.at[kk]], dstv.at[b], g_sems[b]
                )
            )
            if kk >= 1:
                gathers[kk - 1].wait()
                roff = pl.multiple_of((w + 32 * (kk - 1)) * 128, 128)
                pending[1 - b] = pltpu.async_copy(
                    dstv.at[1 - b],
                    out_hbm.at[pl.ds(roff, 128)],
                    o_sems[1 - b],
                )
        gathers[11].wait()
        roff = pl.multiple_of((w + 32 * 11) * 128, 128)
        pending[1] = pltpu.async_copy(
            dstv.at[1], out_hbm.at[pl.ds(roff, 128)], o_sems[1]
        )
        for h in pending:
            if h is not None:
                h.wait()

        @pl.when(w < 6)
        def _():
            cp = pltpu.async_copy(
                xt_hbm.at[idxv.at[12]], dstv.at[0], g_sems[0]
            )
            cp.wait()
            roff = pl.multiple_of((w + 32 * 12) * 128, 128)
            pltpu.async_copy(
                dstv.at[0], out_hbm.at[pl.ds(roff, 128)], o_sems[0]
            ).wait()

        @pl.when(w == 6)
        def _():
            cp = pltpu.async_copy(
                xt_hbm.at[idxv.at[12]], dstv.at[0], g_sems[0]
            )
            cp.wait()
            pltpu.async_copy(
                dstv.at[0, pl.ds(0, 80)],
                out_hbm.at[pl.ds(49920, 80)],
                o_sems[0],
            ).wait()

    return k(xt, idxb)


def kernel(x):
    idxb = jnp.asarray(_batched_indices())
    out_t = _sc_gather_t(x.T, idxb)
    return out_t.T

# --- scband reference (transcript-rebuilt; emitter-appended) ---
"""Pipeline reference for scband-drop-in-1752346656803 (READ-ONLY COPY).

The authoritative reference and input builder live on the scoring server;
editing this copy changes nothing except your own understanding.
"""

import jax, jax.numpy as jnp
import numpy as np

NUM_SELECT = 50000

def setup_inputs(seed: int = 0) -> dict:
    key = jax.random.key(seed)
    x = jax.random.normal(key, (128, 100000), dtype=jnp.float32)
    return {"x": x}

def reference(x):
    # torch: i = torch.randperm(x.shape[-1])[:num_select]; return x[..., i]
    # jax equivalent with a fixed PRNG key (deterministic permutation)
    perm = jax.random.permutation(jax.random.key(42), x.shape[-1])
    i = perm[:NUM_SELECT]
    return jnp.take(x, i, axis=-1)

if __name__ == "__main__":
    import jax
    _d = setup_inputs()
    print(jax.jit(kernel)(*tuple(_d.values())))

</pallas_src>

<mosaic_0001>
#map = affine_map<(d0, d1) -> (0, 0)>
#map1 = affine_map<(d0, d1) -> (0, 0, 0)>
module attributes {stable_mosaic.version = 14 : i64} {
  func.func @k(%arg0: i32, %arg1: i32, %arg2: memref<100000x128xf32, #tpu.memory_space<hbm>>, %arg3: memref<32x13x128xi32, #tpu.memory_space<hbm>>, %arg4: memref<50000x128xf32, #tpu.memory_space<hbm>>, %arg5: memref<13x128xi32, #tpu.memory_space<vmem>>, %arg6: memref<2x128x128xf32, #tpu.memory_space<vmem>>, %arg7: memref<!tpu.dma_semaphore, #tpu.memory_space<semaphore_mem>>, %arg8: memref<!tpu.dma_semaphore, #tpu.memory_space<semaphore_mem>>, %arg9: memref<!tpu.dma_semaphore, #tpu.memory_space<semaphore_mem>>, %arg10: memref<!tpu.dma_semaphore, #tpu.memory_space<semaphore_mem>>, %arg11: memref<!tpu.dma_semaphore, #tpu.memory_space<semaphore_mem>>) attributes {dimension_semantics = [#tpu.dimension_semantics<core_parallel>, #tpu.dimension_semantics<subcore_parallel>], iteration_bounds = array<i64: 2, 16>, scalar_prefetch = 0 : i64, scratch_operands = 7 : i64, tpu.core_type = #tpu.core_type<sc_vector_subcore>, window_params = [{transform_indices = #map}, {transform_indices = #map1}, {transform_indices = #map}]} {
    %mul3A = arith.constant 2 : i32
    %mul3A_0 = arith.muli %arg1, %mul3A : i32
    %add3A = arith.addi %mul3A_0, %arg0 : i32
    %dma_start3A = arith.constant 0 : i32
    %dma_start3A_1 = arith.constant 0 : i32
    %dma_start3A_2 = tpu.memref_slice %arg3[%add3A, %dma_start3A, %dma_start3A_1] : memref<32x13x128xi32, #tpu.memory_space<hbm>> -> memref<1x13x128xi32, #tpu.memory_space<hbm>>
    %dma_start3A_3 = tpu.memref_squeeze %dma_start3A_2 : memref<1x13x128xi32, #tpu.memory_space<hbm>> -> memref<13x128xi32, #tpu.memory_space<hbm>>
    %dma_start3A_4 = arith.constant 0 : i32
    %dma_start3A_5 = arith.constant 0 : i32
    %dma_start3A_6 = tpu.memref_slice %arg3[%add3A, %dma_start3A_4, %dma_start3A_5] : memref<32x13x128xi32, #tpu.memory_space<hbm>> -> memref<1x13x128xi32, #tpu.memory_space<hbm>>
    %dma_start3A_7 = tpu.memref_squeeze %dma_start3A_6 : memref<1x13x128xi32, #tpu.memory_space<hbm>> -> memref<13x128xi32, #tpu.memory_space<hbm>>
    tpu.enqueue_dma source(%dma_start3A_7 : memref<13x128xi32, #tpu.memory_space<hbm>>) target(%arg5 : memref<13x128xi32, #tpu.memory_space<vmem>>) target_semaphore(%arg7 : memref<!tpu.dma_semaphore, #tpu.memory_space<semaphore_mem>>)
    %dma_wait3A = arith.constant 0 : i32
    %dma_wait3A_8 = arith.constant 0 : i32
    %dma_wait3A_9 = tpu.memref_slice %arg3[%add3A, %dma_wait3A, %dma_wait3A_8] : memref<32x13x128xi32, #tpu.memory_space<hbm>> -> memref<1x13x128xi32, #tpu.memory_space<hbm>>
    %dma_wait3A_10 = tpu.memref_squeeze %dma_wait3A_9 : memref<1x13x128xi32, #tpu.memory_space<hbm>> -> memref<13x128xi32, #tpu.memory_space<hbm>>
    %dma_wait3A_11 = arith.constant 0 : i32
    %dma_wait3A_12 = arith.constant 0 : i32
    %dma_wait3A_13 = tpu.memref_slice %arg3[%add3A, %dma_wait3A_11, %dma_wait3A_12] : memref<32x13x128xi32, #tpu.memory_space<hbm>> -> memref<1x13x128xi32, #tpu.memory_space<hbm>>
    %dma_wait3A_14 = tpu.memref_squeeze %dma_wait3A_13 : memref<1x13x128xi32, #tpu.memory_space<hbm>> -> memref<13x128xi32, #tpu.memory_space<hbm>>
    tpu.wait_dma2 semaphore(%arg7 : memref<!tpu.dma_semaphore, #tpu.memory_space<semaphore_mem>>) src(%dma_wait3A_14 : memref<13x128xi32, #tpu.memory_space<hbm>>) dst(%arg5 : memref<13x128xi32, #tpu.memory_space<vmem>>)
    %dma_start3A_15 = arith.constant 0 : i32
    %dma_start3A_16 = arith.constant 0 : i32
    %dma_start3A_17 = arith.constant 0 : i32
    %dma_start3A_18 = arith.constant 0 : i32
    %dma_start3A_19 = tpu.memref_slice %arg6[%dma_start3A_16, %dma_start3A_17, %dma_start3A_18] : memref<2x128x128xf32, #tpu.memory_space<vmem>> -> memref<1x128x128xf32, #tpu.memory_space<vmem>>
    %dma_start3A_20 = tpu.memref_squeeze %dma_start3A_19 : memref<1x128x128xf32, #tpu.memory_space<vmem>> -> memref<128x128xf32, #tpu.memory_space<vmem>>
    %dma_start3A_21 = arith.constant 0 : i32
    %dma_start3A_22 = tpu.memref_slice %arg5[%dma_start3A_15, %dma_start3A_21] : memref<13x128xi32, #tpu.memory_space<vmem>> -> memref<1x128xi32, #tpu.memory_space<vmem>>
    %dma_start3A_23 = tpu.memref_squeeze %dma_start3A_22 : memref<1x128xi32, #tpu.memory_space<vmem>> -> memref<128xi32, #tpu.memory_space<vmem>>
    %dma_start3A_24 = arith.constant 0 : i32
    %dma_start3A_25 = arith.constant 0 : i32
    %dma_start3A_26 = tpu.memref_slice %arg2[%dma_start3A_24, %dma_start3A_25] : memref<100000x128xf32, #tpu.memory_space<hbm>> -> memref<100000x128xf32, #tpu.memory_space<hbm>>
    tpu.enqueue_indirect_dma source(%dma_start3A_26 : memref<100000x128xf32, #tpu.memory_space<hbm>>) target(%dma_start3A_20 : memref<128x128xf32, #tpu.memory_space<vmem>>) offsets(%dma_start3A_23 : memref<128xi32, #tpu.memory_space<vmem>>) semaphore(%arg8 : memref<!tpu.dma_semaphore, #tpu.memory_space<semaphore_mem>>)
    %dma_start3A_27 = arith.constant 1 : i32
    %dma_start3A_28 = arith.constant 1 : i32
    %dma_start3A_29 = arith.constant 0 : i32
    %dma_start3A_30 = arith.constant 0 : i32
    %dma_start3A_31 = tpu.memref_slice %arg6[%dma_start3A_28, %dma_start3A_29, %dma_start3A_30] : memref<2x128x128xf32, #tpu.memory_space<vmem>> -> memref<1x128x128xf32, #tpu.memory_space<vmem>>
    %dma_start3A_32 = tpu.memref_squeeze %dma_start3A_31 : memref<1x128x128xf32, #tpu.memory_space<vmem>> -> memref<128x128xf32, #tpu.memory_space<vmem>>
    %dma_start3A_33 = arith.constant 0 : i32
    %dma_start3A_34 = tpu.memref_slice %arg5[%dma_start3A_27, %dma_start3A_33] : memref<13x128xi32, #tpu.memory_space<vmem>> -> memref<1x128xi32, #tpu.memory_space<vmem>>
    %dma_start3A_35 = tpu.memref_squeeze %dma_start3A_34 : memref<1x128xi32, #tpu.memory_space<vmem>> -> memref<128xi32, #tpu.memory_space<vmem>>
    %dma_start3A_36 = arith.constant 0 : i32
    %dma_start3A_37 = arith.constant 0 : i32
    %dma_start3A_38 = tpu.memref_slice %arg2[%dma_start3A_36, %dma_start3A_37] : memref<100000x128xf32, #tpu.memory_space<hbm>> -> memref<100000x128xf32, #tpu.memory_space<hbm>>
    tpu.enqueue_indirect_dma source(%dma_start3A_38 : memref<100000x128xf32, #tpu.memory_space<hbm>>) target(%dma_start3A_32 : memref<128x128xf32, #tpu.memory_space<vmem>>) offsets(%dma_start3A_35 : memref<128xi32, #tpu.memory_space<vmem>>) semaphore(%arg9 : memref<!tpu.dma_semaphore, #tpu.memory_space<semaphore_mem>>)
    %dma_wait3A_39 = arith.constant 0 : i32
    %dma_wait3A_40 = arith.constant 0 : i32
    %dma_wait3A_41 = arith.constant 0 : i32
    %dma_wait3A_42 = arith.constant 0 : i32
    %dma_wait3A_43 = tpu.memref_slice %arg6[%dma_wait3A_40, %dma_wait3A_41, %dma_wait3A_42] : memref<2x128x128xf32, #tpu.memory_space<vmem>> -> memref<1x128x128xf32, #tpu.memory_space<vmem>>
    %dma_wait3A_44 = tpu.memref_squeeze %dma_wait3A_43 : memref<1x128x128xf32, #tpu.memory_space<vmem>> -> memref<128x128xf32, #tpu.memory_space<vmem>>
    %dma_wait3A_45 = arith.constant 0 : i32
    %dma_wait3A_46 = tpu.memref_slice %arg5[%dma_wait3A_39, %dma_wait3A_45] : memref<13x128xi32, #tpu.memory_space<vmem>> -> memref<1x128xi32, #tpu.memory_space<vmem>>
    %dma_wait3A_47 = tpu.memref_squeeze %dma_wait3A_46 : memref<1x128xi32, #tpu.memory_space<vmem>> -> memref<128xi32, #tpu.memory_space<vmem>>
    %dma_wait3A_48 = arith.constant 0 : i32
    %dma_wait3A_49 = arith.constant 0 : i32
    %dma_wait3A_50 = tpu.memref_slice %arg2[%dma_wait3A_48, %dma_wait3A_49] : memref<100000x128xf32, #tpu.memory_space<hbm>> -> memref<100000x128xf32, #tpu.memory_space<hbm>>
    tpu.wait_indirect_dma semaphore(%arg8 : memref<!tpu.dma_semaphore, #tpu.memory_space<semaphore_mem>>) src(%dma_wait3A_50 : memref<100000x128xf32, #tpu.memory_space<hbm>>) dst(%dma_wait3A_44 : memref<128x128xf32, #tpu.memory_space<vmem>>)
    %add3A_51 = arith.constant 0 : i32
    %add3A_52 = arith.addi %add3A, %add3A_51 : i32
    %mul3A_53 = arith.constant 128 : i32
    %mul3A_54 = arith.muli %add3A_52, %mul3A_53 : i32
    %multiple_of3A = tpu.assume_multiple %mul3A_54, 128 : i32
    %dma_start3A_55 = arith.constant 0 : i32
    %dma_start3A_56 = arith.constant 0 : i32
    %dma_start3A_57 = arith.constant 0 : i32
    %dma_start3A_58 = tpu.memref_slice %arg6[%dma_start3A_55, %dma_start3A_56, %dma_start3A_57] : memref<2x128x128xf32, #tpu.memory_space<vmem>> -> memref<1x128x128xf32, #tpu.memory_space<vmem>>
    %dma_start3A_59 = tpu.memref_squeeze %dma_start3A_58 : memref<1x128x128xf32, #tpu.memory_space<vmem>> -> memref<128x128xf32, #tpu.memory_space<vmem>>
    %dma_start3A_60 = arith.constant 0 : i32
    %dma_start3A_61 = tpu.memref_slice %arg4[%multiple_of3A, %dma_start3A_60] : memref<50000x128xf32, #tpu.memory_space<hbm>> -> memref<128x128xf32, #tpu.memory_space<hbm>>
    %dma_start3A_62 = arith.constant 0 : i32
    %dma_start3A_63 = tpu.memref_slice %arg4[%multiple_of3A, %dma_start3A_62] : memref<50000x128xf32, #tpu.memory_space<hbm>> -> memref<128x128xf32, #tpu.memory_space<hbm>>
    %dma_start3A_64 = arith.constant 0 : i32
    %dma_start3A_65 = arith.constant 0 : i32
    %dma_start3A_66 = tpu.memref_slice %arg6[%dma_start3A_55, %dma_start3A_64, %dma_start3A_65] : memref<2x128x128xf32, #tpu.memory_space<vmem>> -> memref<1x128x128xf32, #tpu.memory_space<vmem>>
    %dma_start3A_67 = tpu.memref_squeeze %dma_start3A_66 : memref<1x128x128xf32, #tpu.memory_space<vmem>> -> memref<128x128xf32, #tpu.memory_space<vmem>>
    tpu.enqueue_dma source(%dma_start3A_67 : memref<128x128xf32, #tpu.memory_space<vmem>>) target(%dma_start3A_63 : memref<128x128xf32, #tpu.memory_space<hbm>>) target_semaphore(%arg10 : memref<!tpu.dma_semaphore, #tpu.memory_space<semaphore_mem>>)
    %dma_wait3A_68 = arith.constant 0 : i32
    %dma_wait3A_69 = arith.constant 0 : i32
    %dma_wait3A_70 = arith.constant 0 : i32
    %dma_wait3A_71 = tpu.memref_slice %arg6[%dma_wait3A_68, %dma_wait3A_69, %dma_wait3A_70] : memref<2x128x128xf32, #tpu.memory_space<vmem>> -> memref<1x128x128xf32, #tpu.memory_space<vmem>>
    %dma_wait3A_72 = tpu.memref_squeeze %dma_wait3A_71 : memref<1x128x128xf32, #tpu.memory_space<vmem>> -> memref<128x128xf32, #tpu.memory_space<vmem>>
    %dma_wait3A_73 = arith.constant 0 : i32
    %dma_wait3A_74 = tpu.memref_slice %arg4[%multiple_of3A, %dma_wait3A_73] : memref<50000x128xf32, #tpu.memory_space<hbm>> -> memref<128x128xf32, #tpu.memory_space<hbm>>
    %dma_wait3A_75 = arith.constant 0 : i32
    %dma_wait3A_76 = tpu.memref_slice %arg4[%multiple_of3A, %dma_wait3A_75] : memref<50000x128xf32, #tpu.memory_space<hbm>> -> memref<128x128xf32, #tpu.memory_space<hbm>>
    %dma_wait3A_77 = arith.constant 0 : i32
    %dma_wait3A_78 = arith.constant 0 : i32
    %dma_wait3A_79 = tpu.memref_slice %arg6[%dma_wait3A_68, %dma_wait3A_77, %dma_wait3A_78] : memref<2x128x128xf32, #tpu.memory_space<vmem>> -> memref<1x128x128xf32, #tpu.memory_space<vmem>>
    %dma_wait3A_80 = tpu.memref_squeeze %dma_wait3A_79 : memref<1x128x128xf32, #tpu.memory_space<vmem>> -> memref<128x128xf32, #tpu.memory_space<vmem>>
    tpu.wait_dma2 semaphore(%arg10 : memref<!tpu.dma_semaphore, #tpu.memory_space<semaphore_mem>>) src(%dma_wait3A_80 : memref<128x128xf32, #tpu.memory_space<vmem>>) dst(%dma_wait3A_76 : memref<128x128xf32, #tpu.memory_space<hbm>>)
    %dma_start3A_81 = arith.constant 2 : i32
    %dma_start3A_82 = arith.constant 0 : i32
    %dma_start3A_83 = arith.constant 0 : i32
    %dma_start3A_84 = arith.constant 0 : i32
    %dma_start3A_85 = tpu.memref_slice %arg6[%dma_start3A_82, %dma_start3A_83, %dma_start3A_84] : memref<2x128x128xf32, #tpu.memory_space<vmem>> -> memref<1x128x128xf32, #tpu.memory_space<vmem>>
    %dma_start3A_86 = tpu.memref_squeeze %dma_start3A_85 : memref<1x128x128xf32, #tpu.memory_space<vmem>> -> memref<128x128xf32, #tpu.memory_space<vmem>>
    %dma_start3A_87 = arith.constant 0 : i32
    %dma_start3A_88 = tpu.memref_slice %arg5[%dma_start3A_81, %dma_start3A_87] : memref<13x128xi32, #tpu.memory_space<vmem>> -> memref<1x128xi32, #tpu.memory_space<vmem>>
    %dma_start3A_89 = tpu.memref_squeeze %dma_start3A_88 : memref<1x128xi32, #tpu.memory_space<vmem>> -> memref<128xi32, #tpu.memory_space<vmem>>
    %dma_start3A_90 = arith.constant 0 : i32
    %dma_start3A_91 = arith.constant 0 : i32
    %dma_start3A_92 = tpu.memref_slice %arg2[%dma_start3A_90, %dma_start3A_91] : memref<100000x128xf32, #tpu.memory_space<hbm>> -> memref<100000x128xf32, #tpu.memory_space<hbm>>
    tpu.enqueue_indirect_dma source(%dma_start3A_92 : memref<100000x128xf32, #tpu.memory_space<hbm>>) target(%dma_start3A_86 : memref<128x128xf32, #tpu.memory_space<vmem>>) offsets(%dma_start3A_89 : memref<128xi32, #tpu.memory_space<vmem>>) semaphore(%arg8 : memref<!tpu.dma_semaphore, #tpu.memory_space<semaphore_mem>>)
    %dma_wait3A_93 = arith.constant 1 : i32
    %dma_wait3A_94 = arith.constant 1 : i32
    %dma_wait3A_95 = arith.constant 0 : i32
    %dma_wait3A_96 = arith.constant 0 : i32
    %dma_wait3A_97 = tpu.memref_slice %arg6[%dma_wait3A_94, %dma_wait3A_95, %dma_wait3A_96] : memref<2x128x128xf32, #tpu.memory_space<vmem>> -> memref<1x128x128xf32, #tpu.memory_space<vmem>>
    %dma_wait3A_98 = tpu.memref_squeeze %dma_wait3A_97 : memref<1x128x128xf32, #tpu.memory_space<vmem>> -> memref<128x128xf32, #tpu.memory_space<vmem>>
    %dma_wait3A_99 = arith.constant 0 : i32
    %dma_wait3A_100 = tpu.memref_slice %arg5[%dma_wait3A_93, %dma_wait3A_99] : memref<13x128xi32, #tpu.memory_space<vmem>> -> memref<1x128xi32, #tpu.memory_space<vmem>>
    %dma_wait3A_101 = tpu.memref_squeeze %dma_wait3A_100 : memref<1x128xi32, #tpu.memory_space<vmem>> -> memref<128xi32, #tpu.memory_space<vmem>>
    %dma_wait3A_102 = arith.constant 0 : i32
    %dma_wait3A_103 = arith.constant 0 : i32
    %dma_wait3A_104 = tpu.memref_slice %arg2[%dma_wait3A_102, %dma_wait3A_103] : memref<100000x128xf32, #tpu.memory_space<hbm>> -> memref<100000x128xf32, #tpu.memory_space<hbm>>
    tpu.wait_indirect_dma semaphore(%arg9 : memref<!tpu.dma_semaphore, #tpu.memory_space<semaphore_mem>>) src(%dma_wait3A_104 : memref<100000x128xf32, #tpu.memory_space<hbm>>) dst(%dma_wait3A_98 : memref<128x128xf32, #tpu.memory_space<vmem>>)
    %add3A_105 = arith.constant 32 : i32
    %add3A_106 = arith.addi %add3A, %add3A_105 : i32
    %mul3A_107 = arith.constant 128 : i32
    %mul3A_108 = arith.muli %add3A_106, %mul3A_107 : i32
    %multiple_of3A_109 = tpu.assume_multiple %mul3A_108, 128 : i32
    %dma_start3A_110 = arith.constant 1 : i32
    %dma_start3A_111 = arith.constant 0 : i32
    %dma_start3A_112 = arith.constant 0 : i32
    %dma_start3A_113 = tpu.memref_slice %arg6[%dma_start3A_110, %dma_start3A_111, %dma_start3A_112] : memref<2x128x128xf32, #tpu.memory_space<vmem>> -> memref<1x128x128xf32, #tpu.memory_space<vmem>>
    %dma_start3A_114 = tpu.memref_squeeze %dma_start3A_113 : memref<1x128x128xf32, #tpu.memory_space<vmem>> -> memref<128x128xf32, #tpu.memory_space<vmem>>
    %dma_start3A_115 = arith.constant 0 : i32
    %dma_start3A_116 = tpu.memref_slice %arg4[%multiple_of3A_109, %dma_start3A_115] : memref<50000x128xf32, #tpu.memory_space<hbm>> -> memref<128x128xf32, #tpu.memory_space<hbm>>
    %dma_start3A_117 = arith.constant 0 : i32
    %dma_start3A_118 = tpu.memref_slice %arg4[%multiple_of3A_109, %dma_start3A_117] : memref<50000x128xf32, #tpu.memory_space<hbm>> -> memref<128x128xf32, #tpu.memory_space<hbm>>
    %dma_start3A_119 = arith.constant 0 : i32
    %dma_start3A_120 = arith.constant 0 : i32
    %dma_start3A_121 = tpu.memref_slice %arg6[%dma_start3A_110, %dma_start3A_119, %dma_start3A_120] : memref<2x128x128xf32, #tpu.memory_space<vmem>> -> memref<1x128x128xf32, #tpu.memory_space<vmem>>
    %dma_start3A_122 = tpu.memref_squeeze %dma_start3A_121 : memref<1x128x128xf32, #tpu.memory_space<vmem>> -> memref<128x128xf32, #tpu.memory_space<vmem>>
    tpu.enqueue_dma source(%dma_start3A_122 : memref<128x128xf32, #tpu.memory_space<vmem>>) target(%dma_start3A_118 : memref<128x128xf32, #tpu.memory_space<hbm>>) target_semaphore(%arg11 : memref<!tpu.dma_semaphore, #tpu.memory_space<semaphore_mem>>)
    %dma_wait3A_123 = arith.constant 1 : i32
    %dma_wait3A_124 = arith.constant 0 : i32
    %dma_wait3A_125 = arith.constant 0 : i32
    %dma_wait3A_126 = tpu.memref_slice %arg6[%dma_wait3A_123, %dma_wait3A_124, %dma_wait3A_125] : memref<2x128x128xf32, #tpu.memory_space<vmem>> -> memref<1x128x128xf32, #tpu.memory_space<vmem>>
    %dma_wait3A_127 = tpu.memref_squeeze %dma_wait3A_126 : memref<1x128x128xf32, #tpu.memory_space<vmem>> -> memref<128x128xf32, #tpu.memory_space<vmem>>
    %dma_wait3A_128 = arith.constant 0 : i32
    %dma_wait3A_129 = tpu.memref_slice %arg4[%multiple_of3A_109, %dma_wait3A_128] : memref<50000x128xf32, #tpu.memory_space<hbm>> -> memref<128x128xf32, #tpu.memory_space<hbm>>
    %dma_wait3A_130 = arith.constant 0 : i32
    %dma_wait3A_131 = tpu.memref_slice %arg4[%multiple_of3A_109, %dma_wait3A_130] : memref<50000x128xf32, #tpu.memory_space<hbm>> -> memref<128x128xf32, #tpu.memory_space<hbm>>
    %dma_wait3A_132 = arith.constant 0 : i32
    %dma_wait3A_133 = arith.constant 0 : i32
    %dma_wait3A_134 = tpu.memref_slice %arg6[%dma_wait3A_123, %dma_wait3A_132, %dma_wait3A_133] : memref<2x128x128xf32, #tpu.memory_space<vmem>> -> memref<1x128x128xf32, #tpu.memory_space<vmem>>
    %dma_wait3A_135 = tpu.memref_squeeze %dma_wait3A_134 : memref<1x128x128xf32, #tpu.memory_space<vmem>> -> memref<128x128xf32, #tpu.memory_space<vmem>>
    tpu.wait_dma2 semaphore(%arg11 : memref<!tpu.dma_semaphore, #tpu.memory_space<semaphore_mem>>) src(%dma_wait3A_135 : memref<128x128xf32, #tpu.memory_space<vmem>>) dst(%dma_wait3A_131 : memref<128x128xf32, #tpu.memory_space<hbm>>)
    %dma_start3A_136 = arith.constant 3 : i32
    %dma_start3A_137 = arith.constant 1 : i32
    %dma_start3A_138 = arith.constant 0 : i32
    %dma_start3A_139 = arith.constant 0 : i32
    %dma_start3A_140 = tpu.memref_slice %arg6[%dma_start3A_137, %dma_start3A_138, %dma_start3A_139] : memref<2x128x128xf32, #tpu.memory_space<vmem>> -> memref<1x128x128xf32, #tpu.memory_space<vmem>>
    %dma_start3A_141 = tpu.memref_squeeze %dma_start3A_140 : memref<1x128x128xf32, #tpu.memory_space<vmem>> -> memref<128x128xf32, #tpu.memory_space<vmem>>
    %dma_start3A_142 = arith.constant 0 : i32
    %dma_start3A_143 = tpu.memref_slice %arg5[%dma_start3A_136, %dma_start3A_142] : memref<13x128xi32, #tpu.memory_space<vmem>> -> memref<1x128xi32, #tpu.memory_space<vmem>>
    %dma_start3A_144 = tpu.memref_squeeze %dma_start3A_143 : memref<1x128xi32, #tpu.memory_space<vmem>> -> memref<128xi32, #tpu.memory_space<vmem>>
    %dma_start3A_145 = arith.constant 0 : i32
    %dma_start3A_146 = arith.constant 0 : i32
    %dma_start3A_147 = tpu.memref_slice %arg2[%dma_start3A_145, %dma_start3A_146] : memref<100000x128xf32, #tpu.memory_space<hbm>> -> memref<100000x128xf32, #tpu.memory_space<hbm>>
    tpu.enqueue_indirect_dma source(%dma_start3A_147 : memref<100000x128xf32, #tpu.memory_space<hbm>>) target(%dma_start3A_141 : memref<128x128xf32, #tpu.memory_space<vmem>>) offsets(%dma_start3A_144 : memref<128xi32, #tpu.memory_space<vmem>>) semaphore(%arg9 : memref<!tpu.dma_semaphore, #tpu.memory_space<semaphore_mem>>)
    %dma_wait3A_148 = arith.constant 2 : i32
    %dma_wait3A_149 = arith.constant 0 : i32
    %dma_wait3A_150 = arith.constant 0 : i32
    %dma_wait3A_151 = arith.constant 0 : i32
    %dma_wait3A_152 = tpu.memref_slice %arg6[%dma_wait3A_149, %dma_wait3A_150, %dma_wait3A_151] : memref<2x128x128xf32, #tpu.memory_space<vmem>> -> memref<1x128x128xf32, #tpu.memory_space<vmem>>
    %dma_wait3A_153 = tpu.memref_squeeze %dma_wait3A_152 : memref<1x128x128xf32, #tpu.memory_space<vmem>> -> memref<128x128xf32, #tpu.memory_space<vmem>>
    %dma_wait3A_154 = arith.constant 0 : i32
    %dma_wait3A_155 = tpu.memref_slice %arg5[%dma_wait3A_148, %dma_wait3A_154] : memref<13x128xi32, #tpu.memory_space<vmem>> -> memref<1x128xi32, #tpu.memory_space<vmem>>
    %dma_wait3A_156 = tpu.memref_squeeze %dma_wait3A_155 : memref<1x128xi32, #tpu.memory_space<vmem>> -> memref<128xi32, #tpu.memory_space<vmem>>
    %dma_wait3A_157 = arith.constant 0 : i32
    %dma_wait3A_158 = arith.constant 0 : i32
    %dma_wait3A_159 = tpu.memref_slice %arg2[%dma_wait3A_157, %dma_wait3A_158] : memref<100000x128xf32, #tpu.memory_space<hbm>> -> memref<100000x128xf32, #tpu.memory_space<hbm>>
    tpu.wait_indirect_dma semaphore(%arg8 : memref<!tpu.dma_semaphore, #tpu.memory_space<semaphore_mem>>) src(%dma_wait3A_159 : memref<100000x128xf32, #tpu.memory_space<hbm>>) dst(%dma_wait3A_153 : memref<128x128xf32, #tpu.memory_space<vmem>>)
    %add3A_160 = arith.constant 64 : i32
    %add3A_161 = arith.addi %add3A, %add3A_160 : i32
    %mul3A_162 = arith.constant 128 : i32
    %mul3A_163 = arith.muli %add3A_161, %mul3A_162 : i32
    %multiple_of3A_164 = tpu.assume_multiple %mul3A_163, 128 : i32
    %dma_start3A_165 = arith.constant 0 : i32
    %dma_start3A_166 = arith.constant 0 : i32
    %dma_start3A_167 = arith.constant 0 : i32
    %dma_start3A_168 = tpu.memref_slice %arg6[%dma_start3A_165, %dma_start3A_166, %dma_start3A_167] : memref<2x128x128xf32, #tpu.memory_space<vmem>> -> memref<1x128x128xf32, #tpu.memory_space<vmem>>
    %dma_start3A_169 = tpu.memref_squeeze %dma_start3A_168 : memref<1x128x128xf32, #tpu.memory_space<vmem>> -> memref<128x128xf32, #tpu.memory_space<vmem>>
    %dma_start3A_170 = arith.constant 0 : i32
    %dma_start3A_171 = tpu.memref_slice %arg4[%multiple_of3A_164, %dma_start3A_170] : memref<50000x128xf32, #tpu.memory_space<hbm>> -> memref<128x128xf32, #tpu.memory_space<hbm>>
    %dma_start3A_172 = arith.constant 0 : i32
    %dma_start3A_173 = tpu.memref_slice %arg4[%multiple_of3A_164, %dma_start3A_172] : memref<50000x128xf32, #tpu.memory_space<hbm>> -> memref<128x128xf32, #tpu.memory_space<hbm>>
    %dma_start3A_174 = arith.constant 0 : i32
    %dma_start3A_175 = arith.constant 0 : i32
    %dma_start3A_176 = tpu.memref_slice %arg6[%dma_start3A_165, %dma_start3A_174, %dma_start3A_175] : memref<2x128x128xf32, #tpu.memory_space<vmem>> -> memref<1x128x128xf32, #tpu.memory_space<vmem>>
    %dma_start3A_177 = tpu.memref_squeeze %dma_start3A_176 : memref<1x128x128xf32, #tpu.memory_space<vmem>> -> memref<128x128xf32, #tpu.memory_space<vmem>>
    tpu.enqueue_dma source(%dma_start3A_177 : memref<128x128xf32, #tpu.memory_space<vmem>>) target(%dma_start3A_173 : memref<128x128xf32, #tpu.memory_space<hbm>>) target_semaphore(%arg10 : memref<!tpu.dma_semaphore, #tpu.memory_space<semaphore_mem>>)
    %dma_wait3A_178 = arith.constant 0 : i32
    %dma_wait3A_179 = arith.constant 0 : i32
    %dma_wait3A_180 = arith.constant 0 : i32
    %dma_wait3A_181 = tpu.memref_slice %arg6[%dma_wait3A_178, %dma_wait3A_179, %dma_wait3A_180] : memref<2x128x128xf32, #tpu.memory_space<vmem>> -> memref<1x128x128xf32, #tpu.memory_space<vmem>>
    %dma_wait3A_182 = tpu.memref_squeeze %dma_wait3A_181 : memref<1x128x128xf32, #tpu.memory_space<vmem>> -> memref<128x128xf32, #tpu.memory_space<vmem>>
    %dma_wait3A_183 = arith.constant 0 : i32
    %dma_wait3A_184 = tpu.memref_slice %arg4[%multiple_of3A_164, %dma_wait3A_183] : memref<50000x128xf32, #tpu.memory_space<hbm>> -> memref<128x128xf32, #tpu.memory_space<hbm>>
    %dma_wait3A_185 = arith.constant 0 : i32
    %dma_wait3A_186 = tpu.memref_slice %arg4[%multiple_of3A_164, %dma_wait3A_185] : memref<50000x128xf32, #tpu.memory_space<hbm>> -> memref<128x128xf32, #tpu.memory_space<hbm>>
    %dma_wait3A_187 = arith.constant 0 : i32
    %dma_wait3A_188 = arith.constant 0 : i32
    %dma_wait3A_189 = tpu.memref_slice %arg6[%dma_wait3A_178, %dma_wait3A_187, %dma_wait3A_188] : memref<2x128x128xf32, #tpu.memory_space<vmem>> -> memref<1x128x128xf32, #tpu.memory_space<vmem>>
    %dma_wait3A_190 = tpu.memref_squeeze %dma_wait3A_189 : memref<1x128x128xf32, #tpu.memory_space<vmem>> -> memref<128x128xf32, #tpu.memory_space<vmem>>
    tpu.wait_dma2 semaphore(%arg10 : memref<!tpu.dma_semaphore, #tpu.memory_space<semaphore_mem>>) src(%dma_wait3A_190 : memref<128x128xf32, #tpu.memory_space<vmem>>) dst(%dma_wait3A_186 : memref<128x128xf32, #tpu.memory_space<hbm>>)
    %dma_start3A_191 = arith.constant 4 : i32
    %dma_start3A_192 = arith.constant 0 : i32
    %dma_start3A_193 = arith.constant 0 : i32
    %dma_start3A_194 = arith.constant 0 : i32
    %dma_start3A_195 = tpu.memref_slice %arg6[%dma_start3A_192, %dma_start3A_193, %dma_start3A_194] : memref<2x128x128xf32, #tpu.memory_space<vmem>> -> memref<1x128x128xf32, #tpu.memory_space<vmem>>
    %dma_start3A_196 = tpu.memref_squeeze %dma_start3A_195 : memref<1x128x128xf32, #tpu.memory_space<vmem>> -> memref<128x128xf32, #tpu.memory_space<vmem>>
    %dma_start3A_197 = arith.constant 0 : i32
    %dma_start3A_198 = tpu.memref_slice %arg5[%dma_start3A_191, %dma_start3A_197] : memref<13x128xi32, #tpu.memory_space<vmem>> -> memref<1x128xi32, #tpu.memory_space<vmem>>
    %dma_start3A_199 = tpu.memref_squeeze %dma_start3A_198 : memref<1x128xi32, #tpu.memory_space<vmem>> -> memref<128xi32, #tpu.memory_space<vmem>>
    %dma_start3A_200 = arith.constant 0 : i32
    %dma_start3A_201 = arith.constant 0 : i32
    %dma_start3A_202 = tpu.memref_slice %arg2[%dma_start3A_200, %dma_start3A_201] : memref<100000x128xf32, #tpu.memory_space<hbm>> -> memref<100000x128xf32, #tpu.memory_space<hbm>>
    tpu.enqueue_indirect_dma source(%dma_start3A_202 : memref<100000x128xf32, #tpu.memory_space<hbm>>) target(%dma_start3A_196 : memref<128x128xf32, #tpu.memory_space<vmem>>) offsets(%dma_start3A_199 : memref<128xi32, #tpu.memory_space<vmem>>) semaphore(%arg8 : memref<!tpu.dma_semaphore, #tpu.memory_space<semaphore_mem>>)
    %dma_wait3A_203 = arith.constant 3 : i32
    %dma_wait3A_204 = arith.constant 1 : i32
    %dma_wait3A_205 = arith.constant 0 : i32
    %dma_wait3A_206 = arith.constant 0 : i32
    %dma_wait3A_207 = tpu.memref_slice %arg6[%dma_wait3A_204, %dma_wait3A_205, %dma_wait3A_206] : memref<2x128x128xf32, #tpu.memory_space<vmem>> -> memref<1x128x128xf32, #tpu.memory_space<vmem>>
    %dma_wait3A_208 = tpu.memref_squeeze %dma_wait3A_207 : memref<1x128x128xf32, #tpu.memory_space<vmem>> -> memref<128x128xf32, #tpu.memory_space<vmem>>
    %dma_wait3A_209 = arith.constant 0 : i32
    %dma_wait3A_210 = tpu.memref_slice %arg5[%dma_wait3A_203, %dma_wait3A_209] : memref<13x128xi32, #tpu.memory_space<vmem>> -> memref<1x128xi32, #tpu.memory_space<vmem>>
    %dma_wait3A_211 = tpu.memref_squeeze %dma_wait3A_210 : memref<1x128xi32, #tpu.memory_space<vmem>> -> memref<128xi32, #tpu.memory_space<vmem>>
    %dma_wait3A_212 = arith.constant 0 : i32
    %dma_wait3A_213 = arith.constant 0 : i32
    %dma_wait3A_214 = tpu.memref_slice %arg2[%dma_wait3A_212, %dma_wait3A_213] : memref<100000x128xf32, #tpu.memory_space<hbm>> -> memref<100000x128xf32, #tpu.memory_space<hbm>>
    tpu.wait_indirect_dma semaphore(%arg9 : memref<!tpu.dma_semaphore, #tpu.memory_space<semaphore_mem>>) src(%dma_wait3A_214 : memref<100000x128xf32, #tpu.memory_space<hbm>>) dst(%dma_wait3A_208 : memref<128x128xf32, #tpu.memory_space<vmem>>)
    %add3A_215 = arith.constant 96 : i32
    %add3A_216 = arith.addi %add3A, %add3A_215 : i32
    %mul3A_217 = arith.constant 128 : i32
    %mul3A_218 = arith.muli %add3A_216, %mul3A_217 : i32
    %multiple_of3A_219 = tpu.assume_multiple %mul3A_218, 128 : i32
    %dma_start3A_220 = arith.constant 1 : i32
    %dma_start3A_221 = arith.constant 0 : i32
    %dma_start3A_222 = arith.constant 0 : i32
    %dma_start3A_223 = tpu.memref_slice %arg6[%dma_start3A_220, %dma_start3A_221, %dma_start3A_222] : memref<2x128x128xf32, #tpu.memory_space<vmem>> -> memref<1x128x128xf32, #tpu.memory_space<vmem>>
    %dma_start3A_224 = tpu.memref_squeeze %dma_start3A_223 : memref<1x128x128xf32, #tpu.memory_space<vmem>> -> memref<128x128xf32, #tpu.memory_space<vmem>>
    %dma_start3A_225 = arith.constant 0 : i32
    %dma_start3A_226 = tpu.memref_slice %arg4[%multiple_of3A_219, %dma_start3A_225] : memref<50000x128xf32, #tpu.memory_space<hbm>> -> memref<128x128xf32, #tpu.memory_space<hbm>>
    %dma_start3A_227 = arith.constant 0 : i32
    %dma_start3A_228 = tpu.memref_slice %arg4[%multiple_of3A_219, %dma_start3A_227] : memref<50000x128xf32, #tpu.memory_space<hbm>> -> memref<128x128xf32, #tpu.memory_space<hbm>>
    %dma_start3A_229 = arith.constant 0 : i32
    %dma_start3A_230 = arith.constant 0 : i32
    %dma_start3A_231 = tpu.memref_slice %arg6[%dma_start3A_220, %dma_start3A_229, %dma_start3A_230] : memref<2x128x128xf32, #tpu.memory_space<vmem>> -> memref<1x128x128xf32, #tpu.memory_space<vmem>>
    %dma_start3A_232 = tpu.memref_squeeze %dma_start3A_231 : memref<1x128x128xf32, #tpu.memory_space<vmem>> -> memref<128x128xf32, #tpu.memory_space<vmem>>
    tpu.enqueue_dma source(%dma_start3A_232 : memref<128x128xf32, #tpu.memory_space<vmem>>) target(%dma_start3A_228 : memref<128x128xf32, #tpu.memory_space<hbm>>) target_semaphore(%arg11 : memref<!tpu.dma_semaphore, #tpu.memory_space<semaphore_mem>>)
    %dma_wait3A_233 = arith.constant 1 : i32
    %dma_wait3A_234 = arith.constant 0 : i32
    %dma_wait3A_235 = arith.constant 0 : i32
    %dma_wait3A_236 = tpu.memref_slice %arg6[%dma_wait3A_233, %dma_wait3A_234, %dma_wait3A_235] : memref<2x128x128xf32, #tpu.memory_space<vmem>> -> memref<1x128x128xf32, #tpu.memory_space<vmem>>
    %dma_wait3A_237 = tpu.memref_squeeze %dma_wait3A_236 : memref<1x128x128xf32, #tpu.memory_space<vmem>> -> memref<128x128xf32, #tpu.memory_space<vmem>>
    %dma_wait3A_238 = arith.constant 0 : i32
    %dma_wait3A_239 = tpu.memref_slice %arg4[%multiple_of3A_219, %dma_wait3A_238] : memref<50000x128xf32, #tpu.memory_space<hbm>> -> memref<128x128xf32, #tpu.memory_space<hbm>>
    %dma_wait3A_240 = arith.constant 0 : i32
    %dma_wait3A_241 = tpu.memref_slice %arg4[%multiple_of3A_219, %dma_wait3A_240] : memref<50000x128xf32, #tpu.memory_space<hbm>> -> memref<128x128xf32, #tpu.memory_space<hbm>>
    %dma_wait3A_242 = arith.constant 0 : i32
    %dma_wait3A_243 = arith.constant 0 : i32
    %dma_wait3A_244 = tpu.memref_slice %arg6[%dma_wait3A_233, %dma_wait3A_242, %dma_wait3A_243] : memref<2x128x128xf32, #tpu.memory_space<vmem>> -> memref<1x128x128xf32, #tpu.memory_space<vmem>>
    %dma_wait3A_245 = tpu.memref_squeeze %dma_wait3A_244 : memref<1x128x128xf32, #tpu.memory_space<vmem>> -> memref<128x128xf32, #tpu.memory_space<vmem>>
    tpu.wait_dma2 semaphore(%arg11 : memref<!tpu.dma_semaphore, #tpu.memory_space<semaphore_mem>>) src(%dma_wait3A_245 : memref<128x128xf32, #tpu.memory_space<vmem>>) dst(%dma_wait3A_241 : memref<128x128xf32, #tpu.memory_space<hbm>>)
    %dma_start3A_246 = arith.constant 5 : i32
    %dma_start3A_247 = arith.constant 1 : i32
    %dma_start3A_248 = arith.constant 0 : i32
    %dma_start3A_249 = arith.constant 0 : i32
    %dma_start3A_250 = tpu.memref_slice %arg6[%dma_start3A_247, %dma_start3A_248, %dma_start3A_249] : memref<2x128x128xf32, #tpu.memory_space<vmem>> -> memref<1x128x128xf32, #tpu.memory_space<vmem>>
    %dma_start3A_251 = tpu.memref_squeeze %dma_start3A_250 : memref<1x128x128xf32, #tpu.memory_space<vmem>> -> memref<128x128xf32, #tpu.memory_space<vmem>>
    %dma_start3A_252 = arith.constant 0 : i32
    %dma_start3A_253 = tpu.memref_slice %arg5[%dma_start3A_246, %dma_start3A_252] : memref<13x128xi32, #tpu.memory_space<vmem>> -> memref<1x128xi32, #tpu.memory_space<vmem>>
    %dma_start3A_254 = tpu.memref_squeeze %dma_start3A_253 : memref<1x128xi32, #tpu.memory_space<vmem>> -> memref<128xi32, #tpu.memory_space<vmem>>
    %dma_start3A_255 = arith.constant 0 : i32
    %dma_start3A_256 = arith.constant 0 : i32
    %dma_start3A_257 = tpu.memref_slice %arg2[%dma_start3A_255, %dma_start3A_256] : memref<100000x128xf32, #tpu.memory_space<hbm>> -> memref<100000x128xf32, #tpu.memory_space<hbm>>
    tpu.enqueue_indirect_dma source(%dma_start3A_257 : memref<100000x128xf32, #tpu.memory_space<hbm>>) target(%dma_start3A_251 : memref<128x128xf32, #tpu.memory_space<vmem>>) offsets(%dma_start3A_254 : memref<128xi32, #tpu.memory_space<vmem>>) semaphore(%arg9 : memref<!tpu.dma_semaphore, #tpu.memory_space<semaphore_mem>>)
    %dma_wait3A_258 = arith.constant 4 : i32
    %dma_wait3A_259 = arith.constant 0 : i32
    %dma_wait3A_260 = arith.constant 0 : i32
    %dma_wait3A_261 = arith.constant 0 : i32
    %dma_wait3A_262 = tpu.memref_slice %arg6[%dma_wait3A_259, %dma_wait3A_260, %dma_wait3A_261] : memref<2x128x128xf32, #tpu.memory_space<vmem>> -> memref<1x128x128xf32, #tpu.memory_space<vmem>>
    %dma_wait3A_263 = tpu.memref_squeeze %dma_wait3A_262 : memref<1x128x128xf32, #tpu.memory_space<vmem>> -> memref<128x128xf32, #tpu.memory_space<vmem>>
    %dma_wait3A_264 = arith.constant 0 : i32
    %dma_wait3A_265 = tpu.memref_slice %arg5[%dma_wait3A_258, %dma_wait3A_264] : memref<13x128xi32, #tpu.memory_space<vmem>> -> memref<1x128xi32, #tpu.memory_space<vmem>>
    %dma_wait3A_266 = tpu.memref_squeeze %dma_wait3A_265 : memref<1x128xi32, #tpu.memory_space<vmem>> -> memref<128xi32, #tpu.memory_space<vmem>>
    %dma_wait3A_267 = arith.constant 0 : i32
    %dma_wait3A_268 = arith.constant 0 : i32
    %dma_wait3A_269 = tpu.memref_slice %arg2[%dma_wait3A_267, %dma_wait3A_268] : memref<100000x128xf32, #tpu.memory_space<hbm>> -> memref<100000x128xf32, #tpu.memory_space<hbm>>
    tpu.wait_indirect_dma semaphore(%arg8 : memref<!tpu.dma_semaphore, #tpu.memory_space<semaphore_mem>>) src(%dma_wait3A_269 : memref<100000x128xf32, #tpu.memory_space<hbm>>) dst(%dma_wait3A_263 : memref<128x128xf32, #tpu.memory_space<vmem>>)
    %add3A_270 = arith.constant 128 : i32
    %add3A_271 = arith.addi %add3A, %add3A_270 : i32
    %mul3A_272 = arith.constant 128 : i32
    %mul3A_273 = arith.muli %add3A_271, %mul3A_272 : i32
    %multiple_of3A_274 = tpu.assume_multiple %mul3A_273, 128 : i32
    %dma_start3A_275 = arith.constant 0 : i32
    %dma_start3A_276 = arith.constant 0 : i32
    %dma_start3A_277 = arith.constant 0 : i32
    %dma_start3A_278 = tpu.memref_slice %arg6[%dma_start3A_275, %dma_start3A_276, %dma_start3A_277] : memref<2x128x128xf32, #tpu.memory_space<vmem>> -> memref<1x128x128xf32, #tpu.memory_space<vmem>>
    %dma_start3A_279 = tpu.memref_squeeze %dma_start3A_278 : memref<1x128x128xf32, #tpu.memory_space<vmem>> -> memref<128x128xf32, #tpu.memory_space<vmem>>
    %dma_start3A_280 = arith.constant 0 : i32
    %dma_start3A_281 = tpu.memref_slice %arg4[%multiple_of3A_274, %dma_start3A_280] : memref<50000x128xf32, #tpu.memory_space<hbm>> -> memref<128x128xf32, #tpu.memory_space<hbm>>
    %dma_start3A_282 = arith.constant 0 : i32
    %dma_start3A_283 = tpu.memref_slice %arg4[%multiple_of3A_274, %dma_start3A_282] : memref<50000x128xf32, #tpu.memory_space<hbm>> -> memref<128x128xf32, #tpu.memory_space<hbm>>
    %dma_start3A_284 = arith.constant 0 : i32
    %dma_start3A_285 = arith.constant 0 : i32
    %dma_start3A_286 = tpu.memref_slice %arg6[%dma_start3A_275, %dma_start3A_284, %dma_start3A_285] : memref<2x128x128xf32, #tpu.memory_space<vmem>> -> memref<1x128x128xf32, #tpu.memory_space<vmem>>
    %dma_start3A_287 = tpu.memref_squeeze %dma_start3A_286 : memref<1x128x128xf32, #tpu.memory_space<vmem>> -> memref<128x128xf32, #tpu.memory_space<vmem>>
    tpu.enqueue_dma source(%dma_start3A_287 : memref<128x128xf32, #tpu.memory_space<vmem>>) target(%dma_start3A_283 : memref<128x128xf32, #tpu.memory_space<hbm>>) target_semaphore(%arg10 : memref<!tpu.dma_semaphore, #tpu.memory_space<semaphore_mem>>)
    %dma_wait3A_288 = arith.constant 0 : i32
    %dma_wait3A_289 = arith.constant 0 : i32
    %dma_wait3A_290 = arith.constant 0 : i32
    %dma_wait3A_291 = tpu.memref_slice %arg6[%dma_wait3A_288, %dma_wait3A_289, %dma_wait3A_290] : memref<2x128x128xf32, #tpu.memory_space<vmem>> -> memref<1x128x128xf32, #tpu.memory_space<vmem>>
    %dma_wait3A_292 = tpu.memref_squeeze %dma_wait3A_291 : memref<1x128x128xf32, #tpu.memory_space<vmem>> -> memref<128x128xf32, #tpu.memory_space<vmem>>
    %dma_wait3A_293 = arith.constant 0 : i32
    %dma_wait3A_294 = tpu.memref_slice %arg4[%multiple_of3A_274, %dma_wait3A_293] : memref<50000x128xf32, #tpu.memory_space<hbm>> -> memref<128x128xf32, #tpu.memory_space<hbm>>
    %dma_wait3A_295 = arith.constant 0 : i32
    %dma_wait3A_296 = tpu.memref_slice %arg4[%multiple_of3A_274, %dma_wait3A_295] : memref<50000x128xf32, #tpu.memory_space<hbm>> -> memref<128x128xf32, #tpu.memory_space<hbm>>
    %dma_wait3A_297 = arith.constant 0 : i32
    %dma_wait3A_298 = arith.constant 0 : i32
    %dma_wait3A_299 = tpu.memref_slice %arg6[%dma_wait3A_288, %dma_wait3A_297, %dma_wait3A_298] : memref<2x128x128xf32, #tpu.memory_space<vmem>> -> memref<1x128x128xf32, #tpu.memory_space<vmem>>
    %dma_wait3A_300 = tpu.memref_squeeze %dma_wait3A_299 : memref<1x128x128xf32, #tpu.memory_space<vmem>> -> memref<128x128xf32, #tpu.memory_space<vmem>>
    tpu.wait_dma2 semaphore(%arg10 : memref<!tpu.dma_semaphore, #tpu.memory_space<semaphore_mem>>) src(%dma_wait3A_300 : memref<128x128xf32, #tpu.memory_space<vmem>>) dst(%dma_wait3A_296 : memref<128x128xf32, #tpu.memory_space<hbm>>)
    %dma_start3A_301 = arith.constant 6 : i32
    %dma_start3A_302 = arith.constant 0 : i32
    %dma_start3A_303 = arith.constant 0 : i32
    %dma_start3A_304 = arith.constant 0 : i32
    %dma_start3A_305 = tpu.memref_slice %arg6[%dma_start3A_302, %dma_start3A_303, %dma_start3A_304] : memref<2x128x128xf32, #tpu.memory_space<vmem>> -> memref<1x128x128xf32, #tpu.memory_space<vmem>>
    %dma_start3A_306 = tpu.memref_squeeze %dma_start3A_305 : memref<1x128x128xf32, #tpu.memory_space<vmem>> -> memref<128x128xf32, #tpu.memory_space<vmem>>
    %dma_start3A_307 = arith.constant 0 : i32
    %dma_start3A_308 = tpu.memref_slice %arg5[%dma_start3A_301, %dma_start3A_307] : memref<13x128xi32, #tpu.memory_space<vmem>> -> memref<1x128xi32, #tpu.memory_space<vmem>>
    %dma_start3A_309 = tpu.memref_squeeze %dma_start3A_308 : memref<1x128xi32, #tpu.memory_space<vmem>> -> memref<128xi32, #tpu.memory_space<vmem>>
    %dma_start3A_310 = arith.constant 0 : i32
    %dma_start3A_311 = arith.constant 0 : i32
    %dma_start3A_312 = tpu.memref_slice %arg2[%dma_start3A_310, %dma_start3A_311] : memref<100000x128xf32, #tpu.memory_space<hbm>> -> memref<100000x128xf32, #tpu.memory_space<hbm>>
    tpu.enqueue_indirect_dma source(%dma_start3A_312 : memref<100000x128xf32, #tpu.memory_space<hbm>>) target(%dma_start3A_306 : memref<128x128xf32, #tpu.memory_space<vmem>>) offsets(%dma_start3A_309 : memref<128xi32, #tpu.memory_space<vmem>>) semaphore(%arg8 : memref<!tpu.dma_semaphore, #tpu.memory_space<semaphore_mem>>)
    %dma_wait3A_313 = arith.constant 5 : i32
    %dma_wait3A_314 = arith.constant 1 : i32
    %dma_wait3A_315 = arith.constant 0 : i32
    %dma_wait3A_316 = arith.constant 0 : i32
    %dma_wait3A_317 = tpu.memref_slice %arg6[%dma_wait3A_314, %dma_wait3A_315, %dma_wait3A_316] : memref<2x128x128xf32, #tpu.memory_space<vmem>> -> memref<1x128x128xf32, #tpu.memory_space<vmem>>
    %dma_wait3A_318 = tpu.memref_squeeze %dma_wait3A_317 : memref<1x128x128xf32, #tpu.memory_space<vmem>> -> memref<128x128xf32, #tpu.memory_space<vmem>>
    %dma_wait3A_319 = arith.constant 0 : i32
    %dma_wait3A_320 = tpu.memref_slice %arg5[%dma_wait3A_313, %dma_wait3A_319] : memref<13x128xi32, #tpu.memory_space<vmem>> -> memref<1x128xi32, #tpu.memory_space<vmem>>
    %dma_wait3A_321 = tpu.memref_squeeze %dma_wait3A_320 : memref<1x128xi32, #tpu.memory_space<vmem>> -> memref<128xi32, #tpu.memory_space<vmem>>
    %dma_wait3A_322 = arith.constant 0 : i32
    %dma_wait3A_323 = arith.constant 0 : i32
    %dma_wait3A_324 = tpu.memref_slice %arg2[%dma_wait3A_322, %dma_wait3A_323] : memref<100000x128xf32, #tpu.memory_space<hbm>> -> memref<100000x128xf32, #tpu.memory_space<hbm>>
    tpu.wait_indirect_dma semaphore(%arg9 : memref<!tpu.dma_semaphore, #tpu.memory_space<semaphore_mem>>) src(%dma_wait3A_324 : memref<100000x128xf32, #tpu.memory_space<hbm>>) dst(%dma_wait3A_318 : memref<128x128xf32, #tpu.memory_space<vmem>>)
    %add3A_325 = arith.constant 160 : i32
    %add3A_326 = arith.addi %add3A, %add3A_325 : i32
    %mul3A_327 = arith.constant 128 : i32
    %mul3A_328 = arith.muli %add3A_326, %mul3A_327 : i32
    %multiple_of3A_329 = tpu.assume_multiple %mul3A_328, 128 : i32
    %dma_start3A_330 = arith.constant 1 : i32
    %dma_start3A_331 = arith.constant 0 : i32
    %dma_start3A_332 = arith.constant 0 : i32
    %dma_start3A_333 = tpu.memref_slice %arg6[%dma_start3A_330, %dma_start3A_331, %dma_start3A_332] : memref<2x128x128xf32, #tpu.memory_space<vmem>> -> memref<1x128x128xf32, #tpu.memory_space<vmem>>
    %dma_start3A_334 = tpu.memref_squeeze %dma_start3A_333 : memref<1x128x128xf32, #tpu.memory_space<vmem>> -> memref<128x128xf32, #tpu.memory_space<vmem>>
    %dma_start3A_335 = arith.constant 0 : i32
    %dma_start3A_336 = tpu.memref_slice %arg4[%multiple_of3A_329, %dma_start3A_335] : memref<50000x128xf32, #tpu.memory_space<hbm>> -> memref<128x128xf32, #tpu.memory_space<hbm>>
    %dma_start3A_337 = arith.constant 0 : i32
    %dma_start3A_338 = tpu.memref_slice %arg4[%multiple_of3A_329, %dma_start3A_337] : memref<50000x128xf32, #tpu.memory_space<hbm>> -> memref<128x128xf32, #tpu.memory_space<hbm>>
    %dma_start3A_339 = arith.constant 0 : i32
    %dma_start3A_340 = arith.constant 0 : i32
    %dma_start3A_341 = tpu.memref_slice %arg6[%dma_start3A_330, %dma_start3A_339, %dma_start3A_340] : memref<2x128x128xf32, #tpu.memory_space<vmem>> -> memref<1x128x128xf32, #tpu.memory_space<vmem>>
    %dma_start3A_342 = tpu.memref_squeeze %dma_start3A_341 : memref<1x128x128xf32, #tpu.memory_space<vmem>> -> memref<128x128xf32, #tpu.memory_space<vmem>>
    tpu.enqueue_dma source(%dma_start3A_342 : memref<128x128xf32, #tpu.memory_space<vmem>>) target(%dma_start3A_338 : memref<128x128xf32, #tpu.memory_space<hbm>>) target_semaphore(%arg11 : memref<!tpu.dma_semaphore, #tpu.memory_space<semaphore_mem>>)
    %dma_wait3A_343 = arith.constant 1 : i32
    %dma_wait3A_344 = arith.constant 0 : i32
    %dma_wait3A_345 = arith.constant 0 : i32
    %dma_wait3A_346 = tpu.memref_slice %arg6[%dma_wait3A_343, %dma_wait3A_344, %dma_wait3A_345] : memref<2x128x128xf32, #tpu.memory_space<vmem>> -> memref<1x128x128xf32, #tpu.memory_space<vmem>>
    %dma_wait3A_347 = tpu.memref_squeeze %dma_wait3A_346 : memref<1x128x128xf32, #tpu.memory_space<vmem>> -> memref<128x128xf32, #tpu.memory_space<vmem>>
    %dma_wait3A_348 = arith.constant 0 : i32
    %dma_wait3A_349 = tpu.memref_slice %arg4[%multiple_of3A_329, %dma_wait3A_348] : memref<50000x128xf32, #tpu.memory_space<hbm>> -> memref<128x128xf32, #tpu.memory_space<hbm>>
    %dma_wait3A_350 = arith.constant 0 : i32
    %dma_wait3A_351 = tpu.memref_slice %arg4[%multiple_of3A_329, %dma_wait3A_350] : memref<50000x128xf32, #tpu.memory_space<hbm>> -> memref<128x128xf32, #tpu.memory_space<hbm>>
    %dma_wait3A_352 = arith.constant 0 : i32
    %dma_wait3A_353 = arith.constant 0 : i32
    %dma_wait3A_354 = tpu.memref_slice %arg6[%dma_wait3A_343, %dma_wait3A_352, %dma_wait3A_353] : memref<2x128x128xf32, #tpu.memory_space<vmem>> -> memref<1x128x128xf32, #tpu.memory_space<vmem>>
    %dma_wait3A_355 = tpu.memref_squeeze %dma_wait3A_354 : memref<1x128x128xf32, #tpu.memory_space<vmem>> -> memref<128x128xf32, #tpu.memory_space<vmem>>
    tpu.wait_dma2 semaphore(%arg11 : memref<!tpu.dma_semaphore, #tpu.memory_space<semaphore_mem>>) src(%dma_wait3A_355 : memref<128x128xf32, #tpu.memory_space<vmem>>) dst(%dma_wait3A_351 : memref<128x128xf32, #tpu.memory_space<hbm>>)
    %dma_start3A_356 = arith.constant 7 : i32
    %dma_start3A_357 = arith.constant 1 : i32
    %dma_start3A_358 = arith.constant 0 : i32
    %dma_start3A_359 = arith.constant 0 : i32
    %dma_start3A_360 = tpu.memref_slice %arg6[%dma_start3A_357, %dma_start3A_358, %dma_start3A_359] : memref<2x128x128xf32, #tpu.memory_space<vmem>> -> memref<1x128x128xf32, #tpu.memory_space<vmem>>
    %dma_start3A_361 = tpu.memref_squeeze %dma_start3A_360 : memref<1x128x128xf32, #tpu.memory_space<vmem>> -> memref<128x128xf32, #tpu.memory_space<vmem>>
    %dma_start3A_362 = arith.constant 0 : i32
    %dma_start3A_363 = tpu.memref_slice %arg5[%dma_start3A_356, %dma_start3A_362] : memref<13x128xi32, #tpu.memory_space<vmem>> -> memref<1x128xi32, #tpu.memory_space<vmem>>
    %dma_start3A_364 = tpu.memref_squeeze %dma_start3A_363 : memref<1x128xi32, #tpu.memory_space<vmem>> -> memref<128xi32, #tpu.memory_space<vmem>>
    %dma_start3A_365 = arith.constant 0 : i32
    %dma_start3A_366 = arith.constant 0 : i32
    %dma_start3A_367 = tpu.memref_slice %arg2[%dma_start3A_365, %dma_start3A_366] : memref<100000x128xf32, #tpu.memory_space<hbm>> -> memref<100000x128xf32, #tpu.memory_space<hbm>>
    tpu.enqueue_indirect_dma source(%dma_start3A_367 : memref<100000x128xf32, #tpu.memory_space<hbm>>) target(%dma_start3A_361 : memref<128x128xf32, #tpu.memory_space<vmem>>) offsets(%dma_start3A_364 : memref<128xi32, #tpu.memory_space<vmem>>) semaphore(%arg9 : memref<!tpu.dma_semaphore, #tpu.memory_space<semaphore_mem>>)
    %dma_wait3A_368 = arith.constant 6 : i32
    %dma_wait3A_369 = arith.constant 0 : i32
    %dma_wait3A_370 = arith.constant 0 : i32
    %dma_wait3A_371 = arith.constant 0 : i32
    %dma_wait3A_372 = tpu.memref_slice %arg6[%dma_wait3A_369, %dma_wait3A_370, %dma_wait3A_371] : memref<2x128x128xf32, #tpu.memory_space<vmem>> -> memref<1x128x128xf32, #tpu.memory_space<vmem>>
    %dma_wait3A_373 = tpu.memref_squeeze %dma_wait3A_372 : memref<1x128x128xf32, #tpu.memory_space<vmem>> -> memref<128x128xf32, #tpu.memory_space<vmem>>
    %dma_wait3A_374 = arith.constant 0 : i32
    %dma_wait3A_375 = tpu.memref_slice %arg5[%dma_wait3A_368, %dma_wait3A_374] : memref<13x128xi32, #tpu.memory_space<vmem>> -> memref<1x128xi32, #tpu.memory_space<vmem>>
    %dma_wait3A_376 = tpu.memref_squeeze %dma_wait3A_375 : memref<1x128xi32, #tpu.memory_space<vmem>> -> memref<128xi32, #tpu.memory_space<vmem>>
    %dma_wait3A_377 = arith.constant 0 : i32
    %dma_wait3A_378 = arith.constant 0 : i32
    %dma_wait3A_379 = tpu.memref_slice %arg2[%dma_wait3A_377, %dma_wait3A_378] : memref<100000x128xf32, #tpu.memory_space<hbm>> -> memref<100000x128xf32, #tpu.memory_space<hbm>>
    tpu.wait_indirect_dma semaphore(%arg8 : memref<!tpu.dma_semaphore, #tpu.memory_space<semaphore_mem>>) src(%dma_wait3A_379 : memref<100000x128xf32, #tpu.memory_space<hbm>>) dst(%dma_wait3A_373 : memref<128x128xf32, #tpu.memory_space<vmem>>)
    %add3A_380 = arith.constant 192 : i32
    %add3A_381 = arith.addi %add3A, %add3A_380 : i32
    %mul3A_382 = arith.constant 128 : i32
    %mul3A_383 = arith.muli %add3A_381, %mul3A_382 : i32
    %multiple_of3A_384 = tpu.assume_multiple %mul3A_383, 128 : i32
    %dma_start3A_385 = arith.constant 0 : i32
    %dma_start3A_386 = arith.constant 0 : i32
    %dma_start3A_387 = arith.constant 0 : i32
    %dma_start3A_388 = tpu.memref_slice %arg6[%dma_start3A_385, %dma_start3A_386, %dma_start3A_387] : memref<2x128x128xf32, #tpu.memory_space<vmem>> -> memref<1x128x128xf32, #tpu.memory_space<vmem>>
    %dma_start3A_389 = tpu.memref_squeeze %dma_start3A_388 : memref<1x128x128xf32, #tpu.memory_space<vmem>> -> memref<128x128xf32, #tpu.memory_space<vmem>>
    %dma_start3A_390 = arith.constant 0 : i32
    %dma_start3A_391 = tpu.memref_slice %arg4[%multiple_of3A_384, %dma_start3A_390] : memref<50000x128xf32, #tpu.memory_space<hbm>> -> memref<128x128xf32, #tpu.memory_space<hbm>>
    %dma_start3A_392 = arith.constant 0 : i32
    %dma_start3A_393 = tpu.memref_slice %arg4[%multiple_of3A_384, %dma_start3A_392] : memref<50000x128xf32, #tpu.memory_space<hbm>> -> memref<128x128xf32, #tpu.memory_space<hbm>>
    %dma_start3A_394 = arith.constant 0 : i32
    %dma_start3A_395 = arith.constant 0 : i32
    %dma_start3A_396 = tpu.memref_slice %arg6[%dma_start3A_385, %dma_start3A_394, %dma_start3A_395] : memref<2x128x128xf32, #tpu.memory_space<vmem>> -> memref<1x128x128xf32, #tpu.memory_space<vmem>>
    %dma_start3A_397 = tpu.memref_squeeze %dma_start3A_396 : memref<1x128x128xf32, #tpu.memory_space<vmem>> -> memref<128x128xf32, #tpu.memory_space<vmem>>
    tpu.enqueue_dma source(%dma_start3A_397 : memref<128x128xf32, #tpu.memory_space<vmem>>) target(%dma_start3A_393 : memref<128x128xf32, #tpu.memory_space<hbm>>) target_semaphore(%arg10 : memref<!tpu.dma_semaphore, #tpu.memory_space<semaphore_mem>>)
    %dma_wait3A_398 = arith.constant 0 : i32
    %dma_wait3A_399 = arith.constant 0 : i32
    %dma_wait3A_400 = arith.constant 0 : i32
    %dma_wait3A_401 = tpu.memref_slice %arg6[%dma_wait3A_398, %dma_wait3A_399, %dma_wait3A_400] : memref<2x128x128xf32, #tpu.memory_space<vmem>> -> memref<1x128x128xf32, #tpu.memory_space<vmem>>
    %dma_wait3A_402 = tpu.memref_squeeze %dma_wait3A_401 : memref<1x128x128xf32, #tpu.memory_space<vmem>> -> memref<128x128xf32, #tpu.memory_space<vmem>>
    %dma_wait3A_403 = arith.constant 0 : i32
    %dma_wait3A_404 = tpu.memref_slice %arg4[%multiple_of3A_384, %dma_wait3A_403] : memref<50000x128xf32, #tpu.memory_space<hbm>> -> memref<128x128xf32, #tpu.memory_space<hbm>>
    %dma_wait3A_405 = arith.constant 0 : i32
    %dma_wait3A_406 = tpu.memref_slice %arg4[%multiple_of3A_384, %dma_wait3A_405] : memref<50000x128xf32, #tpu.memory_space<hbm>> -> memref<128x128xf32, #tpu.memory_space<hbm>>
    %dma_wait3A_407 = arith.constant 0 : i32
    %dma_wait3A_408 = arith.constant 0 : i32
    %dma_wait3A_409 = tpu.memref_slice %arg6[%dma_wait3A_398, %dma_wait3A_407, %dma_wait3A_408] : memref<2x128x128xf32, #tpu.memory_space<vmem>> -> memref<1x128x128xf32, #tpu.memory_space<vmem>>
    %dma_wait3A_410 = tpu.memref_squeeze %dma_wait3A_409 : memref<1x128x128xf32, #tpu.memory_space<vmem>> -> memref<128x128xf32, #tpu.memory_space<vmem>>
    tpu.wait_dma2 semaphore(%arg10 : memref<!tpu.dma_semaphore, #tpu.memory_space<semaphore_mem>>) src(%dma_wait3A_410 : memref<128x128xf32, #tpu.memory_space<vmem>>) dst(%dma_wait3A_406 : memref<128x128xf32, #tpu.memory_space<hbm>>)
    %dma_start3A_411 = arith.constant 8 : i32
    %dma_start3A_412 = arith.constant 0 : i32
    %dma_start3A_413 = arith.constant 0 : i32
    %dma_start3A_414 = arith.constant 0 : i32
    %dma_start3A_415 = tpu.memref_slice %arg6[%dma_start3A_412, %dma_start3A_413, %dma_start3A_414] : memref<2x128x128xf32, #tpu.memory_space<vmem>> -> memref<1x128x128xf32, #tpu.memory_space<vmem>>
    %dma_start3A_416 = tpu.memref_squeeze %dma_start3A_415 : memref<1x128x128xf32, #tpu.memory_space<vmem>> -> memref<128x128xf32, #tpu.memory_space<vmem>>
    %dma_start3A_417 = arith.constant 0 : i32
    %dma_start3A_418 = tpu.memref_slice %arg5[%dma_start3A_411, %dma_start3A_417] : memref<13x128xi32, #tpu.memory_space<vmem>> -> memref<1x128xi32, #tpu.memory_space<vmem>>
    %dma_start3A_419 = tpu.memref_squeeze %dma_start3A_418 : memref<1x128xi32, #tpu.memory_space<vmem>> -> memref<128xi32, #tpu.memory_space<vmem>>
    %dma_start3A_420 = arith.constant 0 : i32
    %dma_start3A_421 = arith.constant 0 : i32
    %dma_start3A_422 = tpu.memref_slice %arg2[%dma_start3A_420, %dma_start3A_421] : memref<100000x128xf32, #tpu.memory_space<hbm>> -> memref<100000x128xf32, #tpu.memory_space<hbm>>
    tpu.enqueue_indirect_dma source(%dma_start3A_422 : memref<100000x128xf32, #tpu.memory_space<hbm>>) target(%dma_start3A_416 : memref<128x128xf32, #tpu.memory_space<vmem>>) offsets(%dma_start3A_419 : memref<128xi32, #tpu.memory_space<vmem>>) semaphore(%arg8 : memref<!tpu.dma_semaphore, #tpu.memory_space<semaphore_mem>>)
    %dma_wait3A_423 = arith.constant 7 : i32
    %dma_wait3A_424 = arith.constant 1 : i32
    %dma_wait3A_425 = arith.constant 0 : i32
    %dma_wait3A_426 = arith.constant 0 : i32
    %dma_wait3A_427 = tpu.memref_slice %arg6[%dma_wait3A_424, %dma_wait3A_425, %dma_wait3A_426] : memref<2x128x128xf32, #tpu.memory_space<vmem>> -> memref<1x128x128xf32, #tpu.memory_space<vmem>>
    %dma_wait3A_428 = tpu.memref_squeeze %dma_wait3A_427 : memref<1x128x128xf32, #tpu.memory_space<vmem>> -> memref<128x128xf32, #tpu.memory_space<vmem>>
    %dma_wait3A_429 = arith.constant 0 : i32
    %dma_wait3A_430 = tpu.memref_slice %arg5[%dma_wait3A_423, %dma_wait3A_429] : memref<13x128xi32, #tpu.memory_space<vmem>> -> memref<1x128xi32, #tpu.memory_space<vmem>>
    %dma_wait3A_431 = tpu.memref_squeeze %dma_wait3A_430 : memref<1x128xi32, #tpu.memory_space<vmem>> -> memref<128xi32, #tpu.memory_space<vmem>>
    %dma_wait3A_432 = arith.constant 0 : i32
    %dma_wait3A_433 = arith.constant 0 : i32
    %dma_wait3A_434 = tpu.memref_slice %arg2[%dma_wait3A_432, %dma_wait3A_433] : memref<100000x128xf32, #tpu.memory_space<hbm>> -> memref<100000x128xf32, #tpu.memory_space<hbm>>
    tpu.wait_indirect_dma semaphore(%arg9 : memref<!tpu.dma_semaphore, #tpu.memory_space<semaphore_mem>>) src(%dma_wait3A_434 : memref<100000x128xf32, #tpu.memory_space<hbm>>) dst(%dma_wait3A_428 : memref<128x128xf32, #tpu.memory_space<vmem>>)
    %add3A_435 = arith.constant 224 : i32
    %add3A_436 = arith.addi %add3A, %add3A_435 : i32
    %mul3A_437 = arith.constant 128 : i32
    %mul3A_438 = arith.muli %add3A_436, %mul3A_437 : i32
    %multiple_of3A_439 = tpu.assume_multiple %mul3A_438, 128 : i32
    %dma_start3A_440 = arith.constant 1 : i32
    %dma_start3A_441 = arith.constant 0 : i32
    %dma_start3A_442 = arith.constant 0 : i32
    %dma_start3A_443 = tpu.memref_slice %arg6[%dma_start3A_440, %dma_start3A_441, %dma_start3A_442] : memref<2x128x128xf32, #tpu.memory_space<vmem>> -> memref<1x128x128xf32, #tpu.memory_space<vmem>>
    %dma_start3A_444 = tpu.memref_squeeze %dma_start3A_443 : memref<1x128x128xf32, #tpu.memory_space<vmem>> -> memref<128x128xf32, #tpu.memory_space<vmem>>
    %dma_start3A_445 = arith.constant 0 : i32
    %dma_start3A_446 = tpu.memref_slice %arg4[%multiple_of3A_439, %dma_start3A_445] : memref<50000x128xf32, #tpu.memory_space<hbm>> -> memref<128x128xf32, #tpu.memory_space<hbm>>
    %dma_start3A_447 = arith.constant 0 : i32
    %dma_start3A_448 = tpu.memref_slice %arg4[%multiple_of3A_439, %dma_start3A_447] : memref<50000x128xf32, #tpu.memory_space<hbm>> -> memref<128x128xf32, #tpu.memory_space<hbm>>
    %dma_start3A_449 = arith.constant 0 : i32
    %dma_start3A_450 = arith.constant 0 : i32
    %dma_start3A_451 = tpu.memref_slice %arg6[%dma_start3A_440, %dma_start3A_449, %dma_start3A_450] : memref<2x128x128xf32, #tpu.memory_space<vmem>> -> memref<1x128x128xf32, #tpu.memory_space<vmem>>
    %dma_start3A_452 = tpu.memref_squeeze %dma_start3A_451 : memref<1x128x128xf32, #tpu.memory_space<vmem>> -> memref<128x128xf32, #tpu.memory_space<vmem>>
    tpu.enqueue_dma source(%dma_start3A_452 : memref<128x128xf32, #tpu.memory_space<vmem>>) target(%dma_start3A_448 : memref<128x128xf32, #tpu.memory_space<hbm>>) target_semaphore(%arg11 : memref<!tpu.dma_semaphore, #tpu.memory_space<semaphore_mem>>)
    %dma_wait3A_453 = arith.constant 1 : i32
    %dma_wait3A_454 = arith.constant 0 : i32
    %dma_wait3A_455 = arith.constant 0 : i32
    %dma_wait3A_456 = tpu.memref_slice %arg6[%dma_wait3A_453, %dma_wait3A_454, %dma_wait3A_455] : memref<2x128x128xf32, #tpu.memory_space<vmem>> -> memref<1x128x128xf32, #tpu.memory_space<vmem>>
    %dma_wait3A_457 = tpu.memref_squeeze %dma_wait3A_456 : memref<1x128x128xf32, #tpu.memory_space<vmem>> -> memref<128x128xf32, #tpu.memory_space<vmem>>
    %dma_wait3A_458 = arith.constant 0 : i32
    %dma_wait3A_459 = tpu.memref_slice %arg4[%multiple_of3A_439, %dma_wait3A_458] : memref<50000x128xf32, #tpu.memory_space<hbm>> -> memref<128x128xf32, #tpu.memory_space<hbm>>
    %dma_wait3A_460 = arith.constant 0 : i32
    %dma_wait3A_461 = tpu.memref_slice %arg4[%multiple_of3A_439, %dma_wait3A_460] : memref<50000x128xf32, #tpu.memory_space<hbm>> -> memref<128x128xf32, #tpu.memory_space<hbm>>
    %dma_wait3A_462 = arith.constant 0 : i32
    %dma_wait3A_463 = arith.constant 0 : i32
    %dma_wait3A_464 = tpu.memref_slice %arg6[%dma_wait3A_453, %dma_wait3A_462, %dma_wait3A_463] : memref<2x128x128xf32, #tpu.memory_space<vmem>> -> memref<1x128x128xf32, #tpu.memory_space<vmem>>
    %dma_wait3A_465 = tpu.memref_squeeze %dma_wait3A_464 : memref<1x128x128xf32, #tpu.memory_space<vmem>> -> memref<128x128xf32, #tpu.memory_space<vmem>>
    tpu.wait_dma2 semaphore(%arg11 : memref<!tpu.dma_semaphore, #tpu.memory_space<semaphore_mem>>) src(%dma_wait3A_465 : memref<128x128xf32, #tpu.memory_space<vmem>>) dst(%dma_wait3A_461 : memref<128x128xf32, #tpu.memory_space<hbm>>)
    %dma_start3A_466 = arith.constant 9 : i32
    %dma_start3A_467 = arith.constant 1 : i32
    %dma_start3A_468 = arith.constant 0 : i32
    %dma_start3A_469 = arith.constant 0 : i32
    %dma_start3A_470 = tpu.memref_slice %arg6[%dma_start3A_467, %dma_start3A_468, %dma_start3A_469] : memref<2x128x128xf32, #tpu.memory_space<vmem>> -> memref<1x128x128xf32, #tpu.memory_space<vmem>>
    %dma_start3A_471 = tpu.memref_squeeze %dma_start3A_470 : memref<1x128x128xf32, #tpu.memory_space<vmem>> -> memref<128x128xf32, #tpu.memory_space<vmem>>
    %dma_start3A_472 = arith.constant 0 : i32
    %dma_start3A_473 = tpu.memref_slice %arg5[%dma_start3A_466, %dma_start3A_472] : memref<13x128xi32, #tpu.memory_space<vmem>> -> memref<1x128xi32, #tpu.memory_space<vmem>>
    %dma_start3A_474 = tpu.memref_squeeze %dma_start3A_473 : memref<1x128xi32, #tpu.memory_space<vmem>> -> memref<128xi32, #tpu.memory_space<vmem>>
    %dma_start3A_475 = arith.constant 0 : i32
    %dma_start3A_476 = arith.constant 0 : i32
    %dma_start3A_477 = tpu.memref_slice %arg2[%dma_start3A_475, %dma_start3A_476] : memref<100000x128xf32, #tpu.memory_space<hbm>> -> memref<100000x128xf32, #tpu.memory_space<hbm>>
    tpu.enqueue_indirect_dma source(%dma_start3A_477 : memref<100000x128xf32, #tpu.memory_space<hbm>>) target(%dma_start3A_471 : memref<128x128xf32, #tpu.memory_space<vmem>>) offsets(%dma_start3A_474 : memref<128xi32, #tpu.memory_space<vmem>>) semaphore(%arg9 : memref<!tpu.dma_semaphore, #tpu.memory_space<semaphore_mem>>)
    %dma_wait3A_478 = arith.constant 8 : i32
    %dma_wait3A_479 = arith.constant 0 : i32
    %dma_wait3A_480 = arith.constant 0 : i32
    %dma_wait3A_481 = arith.constant 0 : i32
    %dma_wait3A_482 = tpu.memref_slice %arg6[%dma_wait3A_479, %dma_wait3A_480, %dma_wait3A_481] : memref<2x128x128xf32, #tpu.memory_space<vmem>> -> memref<1x128x128xf32, #tpu.memory_space<vmem>>
    %dma_wait3A_483 = tpu.memref_squeeze %dma_wait3A_482 : memref<1x128x128xf32, #tpu.memory_space<vmem>> -> memref<128x128xf32, #tpu.memory_space<vmem>>
    %dma_wait3A_484 = arith.constant 0 : i32
    %dma_wait3A_485 = tpu.memref_slice %arg5[%dma_wait3A_478, %dma_wait3A_484] : memref<13x128xi32, #tpu.memory_space<vmem>> -> memref<1x128xi32, #tpu.memory_space<vmem>>
    %dma_wait3A_486 = tpu.memref_squeeze %dma_wait3A_485 : memref<1x128xi32, #tpu.memory_space<vmem>> -> memref<128xi32, #tpu.memory_space<vmem>>
    %dma_wait3A_487 = arith.constant 0 : i32
    %dma_wait3A_488 = arith.constant 0 : i32
    %dma_wait3A_489 = tpu.memref_slice %arg2[%dma_wait3A_487, %dma_wait3A_488] : memref<100000x128xf32, #tpu.memory_space<hbm>> -> memref<100000x128xf32, #tpu.memory_space<hbm>>
    tpu.wait_indirect_dma semaphore(%arg8 : memref<!tpu.dma_semaphore, #tpu.memory_space<semaphore_mem>>) src(%dma_wait3A_489 : memref<100000x128xf32, #tpu.memory_space<hbm>>) dst(%dma_wait3A_483 : memref<128x128xf32, #tpu.memory_space<vmem>>)
    %add3A_490 = arith.constant 256 : i32
    %add3A_491 = arith.addi %add3A, %add3A_490 : i32
    %mul3A_492 = arith.constant 128 : i32
    %mul3A_493 = arith.muli %add3A_491, %mul3A_492 : i32
    %multiple_of3A_494 = tpu.assume_multiple %mul3A_493, 128 : i32
    %dma_start3A_495 = arith.constant 0 : i32
    %dma_start3A_496 = arith.constant 0 : i32
    %dma_start3A_497 = arith.constant 0 : i32
    %dma_start3A_498 = tpu.memref_slice %arg6[%dma_start3A_495, %dma_start3A_496, %dma_start3A_497] : memref<2x128x128xf32, #tpu.memory_space<vmem>> -> memref<1x128x128xf32, #tpu.memory_space<vmem>>
    %dma_start3A_499 = tpu.memref_squeeze %dma_start3A_498 : memref<1x128x128xf32, #tpu.memory_space<vmem>> -> memref<128x128xf32, #tpu.memory_space<vmem>>
    %dma_start3A_500 = arith.constant 0 : i32
    %dma_start3A_501 = tpu.memref_slice %arg4[%multiple_of3A_494, %dma_start3A_500] : memref<50000x128xf32, #tpu.memory_space<hbm>> -> memref<128x128xf32, #tpu.memory_space<hbm>>
    %dma_start3A_502 = arith.constant 0 : i32
    %dma_start3A_503 = tpu.memref_slice %arg4[%multiple_of3A_494, %dma_start3A_502] : memref<50000x128xf32, #tpu.memory_space<hbm>> -> memref<128x128xf32, #tpu.memory_space<hbm>>
    %dma_start3A_504 = arith.constant 0 : i32
    %dma_start3A_505 = arith.constant 0 : i32
    %dma_start3A_506 = tpu.memref_slice %arg6[%dma_start3A_495, %dma_start3A_504, %dma_start3A_505] : memref<2x128x128xf32, #tpu.memory_space<vmem>> -> memref<1x128x128xf32, #tpu.memory_space<vmem>>
    %dma_start3A_507 = tpu.memref_squeeze %dma_start3A_506 : memref<1x128x128xf32, #tpu.memory_space<vmem>> -> memref<128x128xf32, #tpu.memory_space<vmem>>
    tpu.enqueue_dma source(%dma_start3A_507 : memref<128x128xf32, #tpu.memory_space<vmem>>) target(%dma_start3A_503 : memref<128x128xf32, #tpu.memory_space<hbm>>) target_semaphore(%arg10 : memref<!tpu.dma_semaphore, #tpu.memory_space<semaphore_mem>>)
    %dma_wait3A_508 = arith.constant 0 : i32
    %dma_wait3A_509 = arith.constant 0 : i32
    %dma_wait3A_510 = arith.constant 0 : i32
    %dma_wait3A_511 = tpu.memref_slice %arg6[%dma_wait3A_508, %dma_wait3A_509, %dma_wait3A_510] : memref<2x128x128xf32, #tpu.memory_space<vmem>> -> memref<1x128x128xf32, #tpu.memory_space<vmem>>
    %dma_wait3A_512 = tpu.memref_squeeze %dma_wait3A_511 : memref<1x128x128xf32, #tpu.memory_space<vmem>> -> memref<128x128xf32, #tpu.memory_space<vmem>>
    %dma_wait3A_513 = arith.constant 0 : i32
    %dma_wait3A_514 = tpu.memref_slice %arg4[%multiple_of3A_494, %dma_wait3A_513] : memref<50000x128xf32, #tpu.memory_space<hbm>> -> memref<128x128xf32, #tpu.memory_space<hbm>>
    %dma_wait3A_515 = arith.constant 0 : i32
    %dma_wait3A_516 = tpu.memref_slice %arg4[%multiple_of3A_494, %dma_wait3A_515] : memref<50000x128xf32, #tpu.memory_space<hbm>> -> memref<128x128xf32, #tpu.memory_space<hbm>>
    %dma_wait3A_517 = arith.constant 0 : i32
    %dma_wait3A_518 = arith.constant 0 : i32
    %dma_wait3A_519 = tpu.memref_slice %arg6[%dma_wait3A_508, %dma_wait3A_517, %dma_wait3A_518] : memref<2x128x128xf32, #tpu.memory_space<vmem>> -> memref<1x128x128xf32, #tpu.memory_space<vmem>>
    %dma_wait3A_520 = tpu.memref_squeeze %dma_wait3A_519 : memref<1x128x128xf32, #tpu.memory_space<vmem>> -> memref<128x128xf32, #tpu.memory_space<vmem>>
    tpu.wait_dma2 semaphore(%arg10 : memref<!tpu.dma_semaphore, #tpu.memory_space<semaphore_mem>>) src(%dma_wait3A_520 : memref<128x128xf32, #tpu.memory_space<vmem>>) dst(%dma_wait3A_516 : memref<128x128xf32, #tpu.memory_space<hbm>>)
    %dma_start3A_521 = arith.constant 10 : i32
    %dma_start3A_522 = arith.constant 0 : i32
    %dma_start3A_523 = arith.constant 0 : i32
    %dma_start3A_524 = arith.constant 0 : i32
    %dma_start3A_525 = tpu.memref_slice %arg6[%dma_start3A_522, %dma_start3A_523, %dma_start3A_524] : memref<2x128x128xf32, #tpu.memory_space<vmem>> -> memref<1x128x128xf32, #tpu.memory_space<vmem>>
    %dma_start3A_526 = tpu.memref_squeeze %dma_start3A_525 : memref<1x128x128xf32, #tpu.memory_space<vmem>> -> memref<128x128xf32, #tpu.memory_space<vmem>>
    %dma_start3A_527 = arith.constant 0 : i32
    %dma_start3A_528 = tpu.memref_slice %arg5[%dma_start3A_521, %dma_start3A_527] : memref<13x128xi32, #tpu.memory_space<vmem>> -> memref<1x128xi32, #tpu.memory_space<vmem>>
    %dma_start3A_529 = tpu.memref_squeeze %dma_start3A_528 : memref<1x128xi32, #tpu.memory_space<vmem>> -> memref<128xi32, #tpu.memory_space<vmem>>
    %dma_start3A_530 = arith.constant 0 : i32
    %dma_start3A_531 = arith.constant 0 : i32
    %dma_start3A_532 = tpu.memref_slice %arg2[%dma_start3A_530, %dma_start3A_531] : memref<100000x128xf32, #tpu.memory_space<hbm>> -> memref<100000x128xf32, #tpu.memory_space<hbm>>
    tpu.enqueue_indirect_dma source(%dma_start3A_532 : memref<100000x128xf32, #tpu.memory_space<hbm>>) target(%dma_start3A_526 : memref<128x128xf32, #tpu.memory_space<vmem>>) offsets(%dma_start3A_529 : memref<128xi32, #tpu.memory_space<vmem>>) semaphore(%arg8 : memref<!tpu.dma_semaphore, #tpu.memory_space<semaphore_mem>>)
    %dma_wait3A_533 = arith.constant 9 : i32
    %dma_wait3A_534 = arith.constant 1 : i32
    %dma_wait3A_535 = arith.constant 0 : i32
    %dma_wait3A_536 = arith.constant 0 : i32
    %dma_wait3A_537 = tpu.memref_slice %arg6[%dma_wait3A_534, %dma_wait3A_535, %dma_wait3A_536] : memref<2x128x128xf32, #tpu.memory_space<vmem>> -> memref<1x128x128xf32, #tpu.memory_space<vmem>>
    %dma_wait3A_538 = tpu.memref_squeeze %dma_wait3A_537 : memref<1x128x128xf32, #tpu.memory_space<vmem>> -> memref<128x128xf32, #tpu.memory_space<vmem>>
    %dma_wait3A_539 = arith.constant 0 : i32
    %dma_wait3A_540 = tpu.memref_slice %arg5[%dma_wait3A_533, %dma_wait3A_539] : memref<13x128xi32, #tpu.memory_space<vmem>> -> memref<1x128xi32, #tpu.memory_space<vmem>>
    %dma_wait3A_541 = tpu.memref_squeeze %dma_wait3A_540 : memref<1x128xi32, #tpu.memory_space<vmem>> -> memref<128xi32, #tpu.memory_space<vmem>>
    %dma_wait3A_542 = arith.constant 0 : i32
    %dma_wait3A_543 = arith.constant 0 : i32
    %dma_wait3A_544 = tpu.memref_slice %arg2[%dma_wait3A_542, %dma_wait3A_543] : memref<100000x128xf32, #tpu.memory_space<hbm>> -> memref<100000x128xf32, #tpu.memory_space<hbm>>
    tpu.wait_indirect_dma semaphore(%arg9 : memref<!tpu.dma_semaphore, #tpu.memory_space<semaphore_mem>>) src(%dma_wait3A_544 : memref<100000x128xf32, #tpu.memory_space<hbm>>) dst(%dma_wait3A_538 : memref<128x128xf32, #tpu.memory_space<vmem>>)
    %add3A_545 = arith.constant 288 : i32
    %add3A_546 = arith.addi %add3A, %add3A_545 : i32
    %mul3A_547 = arith.constant 128 : i32
    %mul3A_548 = arith.muli %add3A_546, %mul3A_547 : i32
    %multiple_of3A_549 = tpu.assume_multiple %mul3A_548, 128 : i32
    %dma_start3A_550 = arith.constant 1 : i32
    %dma_start3A_551 = arith.constant 0 : i32
    %dma_start3A_552 = arith.constant 0 : i32
    %dma_start3A_553 = tpu.memref_slice %arg6[%dma_start3A_550, %dma_start3A_551, %dma_start3A_552] : memref<2x128x128xf32, #tpu.memory_space<vmem>> -> memref<1x128x128xf32, #tpu.memory_space<vmem>>
    %dma_start3A_554 = tpu.memref_squeeze %dma_start3A_553 : memref<1x128x128xf32, #tpu.memory_space<vmem>> -> memref<128x128xf32, #tpu.memory_space<vmem>>
    %dma_start3A_555 = arith.constant 0 : i32
    %dma_start3A_556 = tpu.memref_slice %arg4[%multiple_of3A_549, %dma_start3A_555] : memref<50000x128xf32, #tpu.memory_space<hbm>> -> memref<128x128xf32, #tpu.memory_space<hbm>>
    %dma_start3A_557 = arith.constant 0 : i32
    %dma_start3A_558 = tpu.memref_slice %arg4[%multiple_of3A_549, %dma_start3A_557] : memref<50000x128xf32, #tpu.memory_space<hbm>> -> memref<128x128xf32, #tpu.memory_space<hbm>>
    %dma_start3A_559 = arith.constant 0 : i32
    %dma_start3A_560 = arith.constant 0 : i32
    %dma_start3A_561 = tpu.memref_slice %arg6[%dma_start3A_550, %dma_start3A_559, %dma_start3A_560] : memref<2x128x128xf32, #tpu.memory_space<vmem>> -> memref<1x128x128xf32, #tpu.memory_space<vmem>>
    %dma_start3A_562 = tpu.memref_squeeze %dma_start3A_561 : memref<1x128x128xf32, #tpu.memory_space<vmem>> -> memref<128x128xf32, #tpu.memory_space<vmem>>
    tpu.enqueue_dma source(%dma_start3A_562 : memref<128x128xf32, #tpu.memory_space<vmem>>) target(%dma_start3A_558 : memref<128x128xf32, #tpu.memory_space<hbm>>) target_semaphore(%arg11 : memref<!tpu.dma_semaphore, #tpu.memory_space<semaphore_mem>>)
    %dma_wait3A_563 = arith.constant 1 : i32
    %dma_wait3A_564 = arith.constant 0 : i32
    %dma_wait3A_565 = arith.constant 0 : i32
    %dma_wait3A_566 = tpu.memref_slice %arg6[%dma_wait3A_563, %dma_wait3A_564, %dma_wait3A_565] : memref<2x128x128xf32, #tpu.memory_space<vmem>> -> memref<1x128x128xf32, #tpu.memory_space<vmem>>
    %dma_wait3A_567 = tpu.memref_squeeze %dma_wait3A_566 : memref<1x128x128xf32, #tpu.memory_space<vmem>> -> memref<128x128xf32, #tpu.memory_space<vmem>>
    %dma_wait3A_568 = arith.constant 0 : i32
    %dma_wait3A_569 = tpu.memref_slice %arg4[%multiple_of3A_549, %dma_wait3A_568] : memref<50000x128xf32, #tpu.memory_space<hbm>> -> memref<128x128xf32, #tpu.memory_space<hbm>>
    %dma_wait3A_570 = arith.constant 0 : i32
    %dma_wait3A_571 = tpu.memref_slice %arg4[%multiple_of3A_549, %dma_wait3A_570] : memref<50000x128xf32, #tpu.memory_space<hbm>> -> memref<128x128xf32, #tpu.memory_space<hbm>>
    %dma_wait3A_572 = arith.constant 0 : i32
    %dma_wait3A_573 = arith.constant 0 : i32
    %dma_wait3A_574 = tpu.memref_slice %arg6[%dma_wait3A_563, %dma_wait3A_572, %dma_wait3A_573] : memref<2x128x128xf32, #tpu.memory_space<vmem>> -> memref<1x128x128xf32, #tpu.memory_space<vmem>>
    %dma_wait3A_575 = tpu.memref_squeeze %dma_wait3A_574 : memref<1x128x128xf32, #tpu.memory_space<vmem>> -> memref<128x128xf32, #tpu.memory_space<vmem>>
    tpu.wait_dma2 semaphore(%arg11 : memref<!tpu.dma_semaphore, #tpu.memory_space<semaphore_mem>>) src(%dma_wait3A_575 : memref<128x128xf32, #tpu.memory_space<vmem>>) dst(%dma_wait3A_571 : memref<128x128xf32, #tpu.memory_space<hbm>>)
    %dma_start3A_576 = arith.constant 11 : i32
    %dma_start3A_577 = arith.constant 1 : i32
    %dma_start3A_578 = arith.constant 0 : i32
    %dma_start3A_579 = arith.constant 0 : i32
    %dma_start3A_580 = tpu.memref_slice %arg6[%dma_start3A_577, %dma_start3A_578, %dma_start3A_579] : memref<2x128x128xf32, #tpu.memory_space<vmem>> -> memref<1x128x128xf32, #tpu.memory_space<vmem>>
    %dma_start3A_581 = tpu.memref_squeeze %dma_start3A_580 : memref<1x128x128xf32, #tpu.memory_space<vmem>> -> memref<128x128xf32, #tpu.memory_space<vmem>>
    %dma_start3A_582 = arith.constant 0 : i32
    %dma_start3A_583 = tpu.memref_slice %arg5[%dma_start3A_576, %dma_start3A_582] : memref<13x128xi32, #tpu.memory_space<vmem>> -> memref<1x128xi32, #tpu.memory_space<vmem>>
    %dma_start3A_584 = tpu.memref_squeeze %dma_start3A_583 : memref<1x128xi32, #tpu.memory_space<vmem>> -> memref<128xi32, #tpu.memory_space<vmem>>
    %dma_start3A_585 = arith.constant 0 : i32
    %dma_start3A_586 = arith.constant 0 : i32
    %dma_start3A_587 = tpu.memref_slice %arg2[%dma_start3A_585, %dma_start3A_586] : memref<100000x128xf32, #tpu.memory_space<hbm>> -> memref<100000x128xf32, #tpu.memory_space<hbm>>
    tpu.enqueue_indirect_dma source(%dma_start3A_587 : memref<100000x128xf32, #tpu.memory_space<hbm>>) target(%dma_start3A_581 : memref<128x128xf32, #tpu.memory_space<vmem>>) offsets(%dma_start3A_584 : memref<128xi32, #tpu.memory_space<vmem>>) semaphore(%arg9 : memref<!tpu.dma_semaphore, #tpu.memory_space<semaphore_mem>>)
    %dma_wait3A_588 = arith.constant 10 : i32
    %dma_wait3A_589 = arith.constant 0 : i32
    %dma_wait3A_590 = arith.constant 0 : i32
    %dma_wait3A_591 = arith.constant 0 : i32
    %dma_wait3A_592 = tpu.memref_slice %arg6[%dma_wait3A_589, %dma_wait3A_590, %dma_wait3A_591] : memref<2x128x128xf32, #tpu.memory_space<vmem>> -> memref<1x128x128xf32, #tpu.memory_space<vmem>>
    %dma_wait3A_593 = tpu.memref_squeeze %dma_wait3A_592 : memref<1x128x128xf32, #tpu.memory_space<vmem>> -> memref<128x128xf32, #tpu.memory_space<vmem>>
    %dma_wait3A_594 = arith.constant 0 : i32
    %dma_wait3A_595 = tpu.memref_slice %arg5[%dma_wait3A_588, %dma_wait3A_594] : memref<13x128xi32, #tpu.memory_space<vmem>> -> memref<1x128xi32, #tpu.memory_space<vmem>>
    %dma_wait3A_596 = tpu.memref_squeeze %dma_wait3A_595 : memref<1x128xi32, #tpu.memory_space<vmem>> -> memref<128xi32, #tpu.memory_space<vmem>>
    %dma_wait3A_597 = arith.constant 0 : i32
    %dma_wait3A_598 = arith.constant 0 : i32
    %dma_wait3A_599 = tpu.memref_slice %arg2[%dma_wait3A_597, %dma_wait3A_598] : memref<100000x128xf32, #tpu.memory_space<hbm>> -> memref<100000x128xf32, #tpu.memory_space<hbm>>
    tpu.wait_indirect_dma semaphore(%arg8 : memref<!tpu.dma_semaphore, #tpu.memory_space<semaphore_mem>>) src(%dma_wait3A_599 : memref<100000x128xf32, #tpu.memory_space<hbm>>) dst(%dma_wait3A_593 : memref<128x128xf32, #tpu.memory_space<vmem>>)
    %add3A_600 = arith.constant 320 : i32
    %add3A_601 = arith.addi %add3A, %add3A_600 : i32
    %mul3A_602 = arith.constant 128 : i32
    %mul3A_603 = arith.muli %add3A_601, %mul3A_602 : i32
    %multiple_of3A_604 = tpu.assume_multiple %mul3A_603, 128 : i32
    %dma_start3A_605 = arith.constant 0 : i32
    %dma_start3A_606 = arith.constant 0 : i32
    %dma_start3A_607 = arith.constant 0 : i32
    %dma_start3A_608 = tpu.memref_slice %arg6[%dma_start3A_605, %dma_start3A_606, %dma_start3A_607] : memref<2x128x128xf32, #tpu.memory_space<vmem>> -> memref<1x128x128xf32, #tpu.memory_space<vmem>>
    %dma_start3A_609 = tpu.memref_squeeze %dma_start3A_608 : memref<1x128x128xf32, #tpu.memory_space<vmem>> -> memref<128x128xf32, #tpu.memory_space<vmem>>
    %dma_start3A_610 = arith.constant 0 : i32
    %dma_start3A_611 = tpu.memref_slice %arg4[%multiple_of3A_604, %dma_start3A_610] : memref<50000x128xf32, #tpu.memory_space<hbm>> -> memref<128x128xf32, #tpu.memory_space<hbm>>
    %dma_start3A_612 = arith.constant 0 : i32
    %dma_start3A_613 = tpu.memref_slice %arg4[%multiple_of3A_604, %dma_start3A_612] : memref<50000x128xf32, #tpu.memory_space<hbm>> -> memref<128x128xf32, #tpu.memory_space<hbm>>
    %dma_start3A_614 = arith.constant 0 : i32
    %dma_start3A_615 = arith.constant 0 : i32
    %dma_start3A_616 = tpu.memref_slice %arg6[%dma_start3A_605, %dma_start3A_614, %dma_start3A_615] : memref<2x128x128xf32, #tpu.memory_space<vmem>> -> memref<1x128x128xf32, #tpu.memory_space<vmem>>
    %dma_start3A_617 = tpu.memref_squeeze %dma_start3A_616 : memref<1x128x128xf32, #tpu.memory_space<vmem>> -> memref<128x128xf32, #tpu.memory_space<vmem>>
    tpu.enqueue_dma source(%dma_start3A_617 : memref<128x128xf32, #tpu.memory_space<vmem>>) target(%dma_start3A_613 : memref<128x128xf32, #tpu.memory_space<hbm>>) target_semaphore(%arg10 : memref<!tpu.dma_semaphore, #tpu.memory_space<semaphore_mem>>)
    %dma_wait3A_618 = arith.constant 11 : i32
    %dma_wait3A_619 = arith.constant 1 : i32
    %dma_wait3A_620 = arith.constant 0 : i32
    %dma_wait3A_621 = arith.constant 0 : i32
    %dma_wait3A_622 = tpu.memref_slice %arg6[%dma_wait3A_619, %dma_wait3A_620, %dma_wait3A_621] : memref<2x128x128xf32, #tpu.memory_space<vmem>> -> memref<1x128x128xf32, #tpu.memory_space<vmem>>
    %dma_wait3A_623 = tpu.memref_squeeze %dma_wait3A_622 : memref<1x128x128xf32, #tpu.memory_space<vmem>> -> memref<128x128xf32, #tpu.memory_space<vmem>>
    %dma_wait3A_624 = arith.constant 0 : i32
    %dma_wait3A_625 = tpu.memref_slice %arg5[%dma_wait3A_618, %dma_wait3A_624] : memref<13x128xi32, #tpu.memory_space<vmem>> -> memref<1x128xi32, #tpu.memory_space<vmem>>
    %dma_wait3A_626 = tpu.memref_squeeze %dma_wait3A_625 : memref<1x128xi32, #tpu.memory_space<vmem>> -> memref<128xi32, #tpu.memory_space<vmem>>
    %dma_wait3A_627 = arith.constant 0 : i32
    %dma_wait3A_628 = arith.constant 0 : i32
    %dma_wait3A_629 = tpu.memref_slice %arg2[%dma_wait3A_627, %dma_wait3A_628] : memref<100000x128xf32, #tpu.memory_space<hbm>> -> memref<100000x128xf32, #tpu.memory_space<hbm>>
    tpu.wait_indirect_dma semaphore(%arg9 : memref<!tpu.dma_semaphore, #tpu.memory_space<semaphore_mem>>) src(%dma_wait3A_629 : memref<100000x128xf32, #tpu.memory_space<hbm>>) dst(%dma_wait3A_623 : memref<128x128xf32, #tpu.memory_space<vmem>>)
    %add3A_630 = arith.constant 352 : i32
    %add3A_631 = arith.addi %add3A, %add3A_630 : i32
    %mul3A_632 = arith.constant 128 : i32
    %mul3A_633 = arith.muli %add3A_631, %mul3A_632 : i32
    %multiple_of3A_634 = tpu.assume_multiple %mul3A_633, 128 : i32
    %dma_start3A_635 = arith.constant 1 : i32
    %dma_start3A_636 = arith.constant 0 : i32
    %dma_start3A_637 = arith.constant 0 : i32
    %dma_start3A_638 = tpu.memref_slice %arg6[%dma_start3A_635, %dma_start3A_636, %dma_start3A_637] : memref<2x128x128xf32, #tpu.memory_space<vmem>> -> memref<1x128x128xf32, #tpu.memory_space<vmem>>
    %dma_start3A_639 = tpu.memref_squeeze %dma_start3A_638 : memref<1x128x128xf32, #tpu.memory_space<vmem>> -> memref<128x128xf32, #tpu.memory_space<vmem>>
    %dma_start3A_640 = arith.constant 0 : i32
    %dma_start3A_641 = tpu.memref_slice %arg4[%multiple_of3A_634, %dma_start3A_640] : memref<50000x128xf32, #tpu.memory_space<hbm>> -> memref<128x128xf32, #tpu.memory_space<hbm>>
    %dma_start3A_642 = arith.constant 0 : i32
    %dma_start3A_643 = tpu.memref_slice %arg4[%multiple_of3A_634, %dma_start3A_642] : memref<50000x128xf32, #tpu.memory_space<hbm>> -> memref<128x128xf32, #tpu.memory_space<hbm>>
    %dma_start3A_644 = arith.constant 0 : i32
    %dma_start3A_645 = arith.constant 0 : i32
    %dma_start3A_646 = tpu.memref_slice %arg6[%dma_start3A_635, %dma_start3A_644, %dma_start3A_645] : memref<2x128x128xf32, #tpu.memory_space<vmem>> -> memref<1x128x128xf32, #tpu.memory_space<vmem>>
    %dma_start3A_647 = tpu.memref_squeeze %dma_start3A_646 : memref<1x128x128xf32, #tpu.memory_space<vmem>> -> memref<128x128xf32, #tpu.memory_space<vmem>>
    tpu.enqueue_dma source(%dma_start3A_647 : memref<128x128xf32, #tpu.memory_space<vmem>>) target(%dma_start3A_643 : memref<128x128xf32, #tpu.memory_space<hbm>>) target_semaphore(%arg11 : memref<!tpu.dma_semaphore, #tpu.memory_space<semaphore_mem>>)
    %dma_wait3A_648 = arith.constant 0 : i32
    %dma_wait3A_649 = arith.constant 0 : i32
    %dma_wait3A_650 = arith.constant 0 : i32
    %dma_wait3A_651 = tpu.memref_slice %arg6[%dma_wait3A_648, %dma_wait3A_649, %dma_wait3A_650] : memref<2x128x128xf32, #tpu.memory_space<vmem>> -> memref<1x128x128xf32, #tpu.memory_space<vmem>>
    %dma_wait3A_652 = tpu.memref_squeeze %dma_wait3A_651 : memref<1x128x128xf32, #tpu.memory_space<vmem>> -> memref<128x128xf32, #tpu.memory_space<vmem>>
    %dma_wait3A_653 = arith.constant 0 : i32
    %dma_wait3A_654 = tpu.memref_slice %arg4[%multiple_of3A_604, %dma_wait3A_653] : memref<50000x128xf32, #tpu.memory_space<hbm>> -> memref<128x128xf32, #tpu.memory_space<hbm>>
    %dma_wait3A_655 = arith.constant 0 : i32
    %dma_wait3A_656 = tpu.memref_slice %arg4[%multiple_of3A_604, %dma_wait3A_655] : memref<50000x128xf32, #tpu.memory_space<hbm>> -> memref<128x128xf32, #tpu.memory_space<hbm>>
    %dma_wait3A_657 = arith.constant 0 : i32
    %dma_wait3A_658 = arith.constant 0 : i32
    %dma_wait3A_659 = tpu.memref_slice %arg6[%dma_wait3A_648, %dma_wait3A_657, %dma_wait3A_658] : memref<2x128x128xf32, #tpu.memory_space<vmem>> -> memref<1x128x128xf32, #tpu.memory_space<vmem>>
    %dma_wait3A_660 = tpu.memref_squeeze %dma_wait3A_659 : memref<1x128x128xf32, #tpu.memory_space<vmem>> -> memref<128x128xf32, #tpu.memory_space<vmem>>
    tpu.wait_dma2 semaphore(%arg10 : memref<!tpu.dma_semaphore, #tpu.memory_space<semaphore_mem>>) src(%dma_wait3A_660 : memref<128x128xf32, #tpu.memory_space<vmem>>) dst(%dma_wait3A_656 : memref<128x128xf32, #tpu.memory_space<hbm>>)
    %dma_wait3A_661 = arith.constant 1 : i32
    %dma_wait3A_662 = arith.constant 0 : i32
    %dma_wait3A_663 = arith.constant 0 : i32
    %dma_wait3A_664 = tpu.memref_slice %arg6[%dma_wait3A_661, %dma_wait3A_662, %dma_wait3A_663] : memref<2x128x128xf32, #tpu.memory_space<vmem>> -> memref<1x128x128xf32, #tpu.memory_space<vmem>>
    %dma_wait3A_665 = tpu.memref_squeeze %dma_wait3A_664 : memref<1x128x128xf32, #tpu.memory_space<vmem>> -> memref<128x128xf32, #tpu.memory_space<vmem>>
    %dma_wait3A_666 = arith.constant 0 : i32
    %dma_wait3A_667 = tpu.memref_slice %arg4[%multiple_of3A_634, %dma_wait3A_666] : memref<50000x128xf32, #tpu.memory_space<hbm>> -> memref<128x128xf32, #tpu.memory_space<hbm>>
    %dma_wait3A_668 = arith.constant 0 : i32
    %dma_wait3A_669 = tpu.memref_slice %arg4[%multiple_of3A_634, %dma_wait3A_668] : memref<50000x128xf32, #tpu.memory_space<hbm>> -> memref<128x128xf32, #tpu.memory_space<hbm>>
    %dma_wait3A_670 = arith.constant 0 : i32
    %dma_wait3A_671 = arith.constant 0 : i32
    %dma_wait3A_672 = tpu.memref_slice %arg6[%dma_wait3A_661, %dma_wait3A_670, %dma_wait3A_671] : memref<2x128x128xf32, #tpu.memory_space<vmem>> -> memref<1x128x128xf32, #tpu.memory_space<vmem>>
    %dma_wait3A_673 = tpu.memref_squeeze %dma_wait3A_672 : memref<1x128x128xf32, #tpu.memory_space<vmem>> -> memref<128x128xf32, #tpu.memory_space<vmem>>
    tpu.wait_dma2 semaphore(%arg11 : memref<!tpu.dma_semaphore, #tpu.memory_space<semaphore_mem>>) src(%dma_wait3A_673 : memref<128x128xf32, #tpu.memory_space<vmem>>) dst(%dma_wait3A_669 : memref<128x128xf32, #tpu.memory_space<hbm>>)
    %lt3A = arith.constant 6 : i32
    %lt3A_674 = arith.cmpi slt, %add3A, %lt3A : i32
    %convert_element_type3A = arith.extui %lt3A_674 : i1 to i32
    %cond3A = arith.constant 0 : i32
    %cond3A_675 = arith.cmpi ne, %convert_element_type3A, %cond3A : i32
    scf.if %cond3A_675 {
      %dma_start3A_680 = arith.constant 12 : i32
      %dma_start3A_681 = arith.constant 0 : i32
      %dma_start3A_682 = arith.constant 0 : i32
      %dma_start3A_683 = arith.constant 0 : i32
      %dma_start3A_684 = tpu.memref_slice %arg6[%dma_start3A_681, %dma_start3A_682, %dma_start3A_683] : memref<2x128x128xf32, #tpu.memory_space<vmem>> -> memref<1x128x128xf32, #tpu.memory_space<vmem>>
      %dma_start3A_685 = tpu.memref_squeeze %dma_start3A_684 : memref<1x128x128xf32, #tpu.memory_space<vmem>> -> memref<128x128xf32, #tpu.memory_space<vmem>>
      %dma_start3A_686 = arith.constant 0 : i32
      %dma_start3A_687 = tpu.memref_slice %arg5[%dma_start3A_680, %dma_start3A_686] : memref<13x128xi32, #tpu.memory_space<vmem>> -> memref<1x128xi32, #tpu.memory_space<vmem>>
      %dma_start3A_688 = tpu.memref_squeeze %dma_start3A_687 : memref<1x128xi32, #tpu.memory_space<vmem>> -> memref<128xi32, #tpu.memory_space<vmem>>
      %dma_start3A_689 = arith.constant 0 : i32
      %dma_start3A_690 = arith.constant 0 : i32
      %dma_start3A_691 = tpu.memref_slice %arg2[%dma_start3A_689, %dma_start3A_690] : memref<100000x128xf32, #tpu.memory_space<hbm>> -> memref<100000x128xf32, #tpu.memory_space<hbm>>
      tpu.enqueue_indirect_dma source(%dma_start3A_691 : memref<100000x128xf32, #tpu.memory_space<hbm>>) target(%dma_start3A_685 : memref<128x128xf32, #tpu.memory_space<vmem>>) offsets(%dma_start3A_688 : memref<128xi32, #tpu.memory_space<vmem>>) semaphore(%arg8 : memref<!tpu.dma_semaphore, #tpu.memory_space<semaphore_mem>>)
      %dma_wait3A_692 = arith.constant 12 : i32
      %dma_wait3A_693 = arith.constant 0 : i32
      %dma_wait3A_694 = arith.constant 0 : i32
      %dma_wait3A_695 = arith.constant 0 : i32
      %dma_wait3A_696 = tpu.memref_slice %arg6[%dma_wait3A_693, %dma_wait3A_694, %dma_wait3A_695] : memref<2x128x128xf32, #tpu.memory_space<vmem>> -> memref<1x128x128xf32, #tpu.memory_space<vmem>>
      %dma_wait3A_697 = tpu.memref_squeeze %dma_wait3A_696 : memref<1x128x128xf32, #tpu.memory_space<vmem>> -> memref<128x128xf32, #tpu.memory_space<vmem>>
      %dma_wait3A_698 = arith.constant 0 : i32
      %dma_wait3A_699 = tpu.memref_slice %arg5[%dma_wait3A_692, %dma_wait3A_698] : memref<13x128xi32, #tpu.memory_space<vmem>> -> memref<1x128xi32, #tpu.memory_space<vmem>>
      %dma_wait3A_700 = tpu.memref_squeeze %dma_wait3A_699 : memref<1x128xi32, #tpu.memory_space<vmem>> -> memref<128xi32, #tpu.memory_space<vmem>>
      %dma_wait3A_701 = arith.constant 0 : i32
      %dma_wait3A_702 = arith.constant 0 : i32
      %dma_wait3A_703 = tpu.memref_slice %arg2[%dma_wait3A_701, %dma_wait3A_702] : memref<100000x128xf32, #tpu.memory_space<hbm>> -> memref<100000x128xf32, #tpu.memory_space<hbm>>
      tpu.wait_indirect_dma semaphore(%arg8 : memref<!tpu.dma_semaphore, #tpu.memory_space<semaphore_mem>>) src(%dma_wait3A_703 : memref<100000x128xf32, #tpu.memory_space<hbm>>) dst(%dma_wait3A_697 : memref<128x128xf32, #tpu.memory_space<vmem>>)
      %add3A_704 = arith.constant 384 : i32
      %add3A_705 = arith.addi %add3A, %add3A_704 : i32
      %mul3A_706 = arith.constant 128 : i32
      %mul3A_707 = arith.muli %add3A_705, %mul3A_706 : i32
      %multiple_of3A_708 = tpu.assume_multiple %mul3A_707, 128 : i32
      %dma_start3A_709 = arith.constant 0 : i32
      %dma_start3A_710 = arith.constant 0 : i32
      %dma_start3A_711 = arith.constant 0 : i32
      %dma_start3A_712 = tpu.memref_slice %arg6[%dma_start3A_709, %dma_start3A_710, %dma_start3A_711] : memref<2x128x128xf32, #tpu.memory_space<vmem>> -> memref<1x128x128xf32, #tpu.memory_space<vmem>>
      %dma_start3A_713 = tpu.memref_squeeze %dma_start3A_712 : memref<1x128x128xf32, #tpu.memory_space<vmem>> -> memref<128x128xf32, #tpu.memory_space<vmem>>
      %dma_start3A_714 = arith.constant 0 : i32
      %dma_start3A_715 = tpu.memref_slice %arg4[%multiple_of3A_708, %dma_start3A_714] : memref<50000x128xf32, #tpu.memory_space<hbm>> -> memref<128x128xf32, #tpu.memory_space<hbm>>
      %dma_start3A_716 = arith.constant 0 : i32
      %dma_start3A_717 = tpu.memref_slice %arg4[%multiple_of3A_708, %dma_start3A_716] : memref<50000x128xf32, #tpu.memory_space<hbm>> -> memref<128x128xf32, #tpu.memory_space<hbm>>
      %dma_start3A_718 = arith.constant 0 : i32
      %dma_start3A_719 = arith.constant 0 : i32
      %dma_start3A_720 = tpu.memref_slice %arg6[%dma_start3A_709, %dma_start3A_718, %dma_start3A_719] : memref<2x128x128xf32, #tpu.memory_space<vmem>> -> memref<1x128x128xf32, #tpu.memory_space<vmem>>
      %dma_start3A_721 = tpu.memref_squeeze %dma_start3A_720 : memref<1x128x128xf32, #tpu.memory_space<vmem>> -> memref<128x128xf32, #tpu.memory_space<vmem>>
      tpu.enqueue_dma source(%dma_start3A_721 : memref<128x128xf32, #tpu.memory_space<vmem>>) target(%dma_start3A_717 : memref<128x128xf32, #tpu.memory_space<hbm>>) target_semaphore(%arg10 : memref<!tpu.dma_semaphore, #tpu.memory_space<semaphore_mem>>)
      %dma_wait3A_722 = arith.constant 0 : i32
      %dma_wait3A_723 = arith.constant 0 : i32
      %dma_wait3A_724 = arith.constant 0 : i32
      %dma_wait3A_725 = tpu.memref_slice %arg6[%dma_wait3A_722, %dma_wait3A_723, %dma_wait3A_724] : memref<2x128x128xf32, #tpu.memory_space<vmem>> -> memref<1x128x128xf32, #tpu.memory_space<vmem>>
      %dma_wait3A_726 = tpu.memref_squeeze %dma_wait3A_725 : memref<1x128x128xf32, #tpu.memory_space<vmem>> -> memref<128x128xf32, #tpu.memory_space<vmem>>
      %dma_wait3A_727 = arith.constant 0 : i32
      %dma_wait3A_728 = tpu.memref_slice %arg4[%multiple_of3A_708, %dma_wait3A_727] : memref<50000x128xf32, #tpu.memory_space<hbm>> -> memref<128x128xf32, #tpu.memory_space<hbm>>
      %dma_wait3A_729 = arith.constant 0 : i32
      %dma_wait3A_730 = tpu.memref_slice %arg4[%multiple_of3A_708, %dma_wait3A_729] : memref<50000x128xf32, #tpu.memory_space<hbm>> -> memref<128x128xf32, #tpu.memory_space<hbm>>
      %dma_wait3A_731 = arith.constant 0 : i32
      %dma_wait3A_732 = arith.constant 0 : i32
      %dma_wait3A_733 = tpu.memref_slice %arg6[%dma_wait3A_722, %dma_wait3A_731, %dma_wait3A_732] : memref<2x128x128xf32, #tpu.memory_space<vmem>> -> memref<1x128x128xf32, #tpu.memory_space<vmem>>
      %dma_wait3A_734 = tpu.memref_squeeze %dma_wait3A_733 : memref<1x128x128xf32, #tpu.memory_space<vmem>> -> memref<128x128xf32, #tpu.memory_space<vmem>>
      tpu.wait_dma2 semaphore(%arg10 : memref<!tpu.dma_semaphore, #tpu.memory_space<semaphore_mem>>) src(%dma_wait3A_734 : memref<128x128xf32, #tpu.memory_space<vmem>>) dst(%dma_wait3A_730 : memref<128x128xf32, #tpu.memory_space<hbm>>)
    } else {
    }
    %eq3A = arith.constant 6 : i32
    %eq3A_676 = arith.cmpi eq, %add3A, %eq3A : i32
    %convert_element_type3A_677 = arith.extui %eq3A_676 : i1 to i32
    %cond3A_678 = arith.constant 0 : i32
    %cond3A_679 = arith.cmpi ne, %convert_element_type3A_677, %cond3A_678 : i32
    scf.if %cond3A_679 {
      %dma_start3A_680 = arith.constant 12 : i32
      %dma_start3A_681 = arith.constant 0 : i32
      %dma_start3A_682 = arith.constant 0 : i32
      %dma_start3A_683 = arith.constant 0 : i32
      %dma_start3A_684 = tpu.memref_slice %arg6[%dma_start3A_681, %dma_start3A_682, %dma_start3A_683] : memref<2x128x128xf32, #tpu.memory_space<vmem>> -> memref<1x128x128xf32, #tpu.memory_space<vmem>>
      %dma_start3A_685 = tpu.memref_squeeze %dma_start3A_684 : memref<1x128x128xf32, #tpu.memory_space<vmem>> -> memref<128x128xf32, #tpu.memory_space<vmem>>
      %dma_start3A_686 = arith.constant 0 : i32
      %dma_start3A_687 = tpu.memref_slice %arg5[%dma_start3A_680, %dma_start3A_686] : memref<13x128xi32, #tpu.memory_space<vmem>> -> memref<1x128xi32, #tpu.memory_space<vmem>>
      %dma_start3A_688 = tpu.memref_squeeze %dma_start3A_687 : memref<1x128xi32, #tpu.memory_space<vmem>> -> memref<128xi32, #tpu.memory_space<vmem>>
      %dma_start3A_689 = arith.constant 0 : i32
      %dma_start3A_690 = arith.constant 0 : i32
      %dma_start3A_691 = tpu.memref_slice %arg2[%dma_start3A_689, %dma_start3A_690] : memref<100000x128xf32, #tpu.memory_space<hbm>> -> memref<100000x128xf32, #tpu.memory_space<hbm>>
      tpu.enqueue_indirect_dma source(%dma_start3A_691 : memref<100000x128xf32, #tpu.memory_space<hbm>>) target(%dma_start3A_685 : memref<128x128xf32, #tpu.memory_space<vmem>>) offsets(%dma_start3A_688 : memref<128xi32, #tpu.memory_space<vmem>>) semaphore(%arg8 : memref<!tpu.dma_semaphore, #tpu.memory_space<semaphore_mem>>)
      %dma_wait3A_692 = arith.constant 12 : i32
      %dma_wait3A_693 = arith.constant 0 : i32
      %dma_wait3A_694 = arith.constant 0 : i32
      %dma_wait3A_695 = arith.constant 0 : i32
      %dma_wait3A_696 = tpu.memref_slice %arg6[%dma_wait3A_693, %dma_wait3A_694, %dma_wait3A_695] : memref<2x128x128xf32, #tpu.memory_space<vmem>> -> memref<1x128x128xf32, #tpu.memory_space<vmem>>
      %dma_wait3A_697 = tpu.memref_squeeze %dma_wait3A_696 : memref<1x128x128xf32, #tpu.memory_space<vmem>> -> memref<128x128xf32, #tpu.memory_space<vmem>>
      %dma_wait3A_698 = arith.constant 0 : i32
      %dma_wait3A_699 = tpu.memref_slice %arg5[%dma_wait3A_692, %dma_wait3A_698] : memref<13x128xi32, #tpu.memory_space<vmem>> -> memref<1x128xi32, #tpu.memory_space<vmem>>
      %dma_wait3A_700 = tpu.memref_squeeze %dma_wait3A_699 : memref<1x128xi32, #tpu.memory_space<vmem>> -> memref<128xi32, #tpu.memory_space<vmem>>
      %dma_wait3A_701 = arith.constant 0 : i32
      %dma_wait3A_702 = arith.constant 0 : i32
      %dma_wait3A_703 = tpu.memref_slice %arg2[%dma_wait3A_701, %dma_wait3A_702] : memref<100000x128xf32, #tpu.memory_space<hbm>> -> memref<100000x128xf32, #tpu.memory_space<hbm>>
      tpu.wait_indirect_dma semaphore(%arg8 : memref<!tpu.dma_semaphore, #tpu.memory_space<semaphore_mem>>) src(%dma_wait3A_703 : memref<100000x128xf32, #tpu.memory_space<hbm>>) dst(%dma_wait3A_697 : memref<128x128xf32, #tpu.memory_space<vmem>>)
      %dma_start3A_704 = arith.constant 0 : i32
      %dma_start3A_705 = arith.constant 0 : i32
      %dma_start3A_706 = arith.constant 0 : i32
      %dma_start3A_707 = tpu.memref_slice %arg6[%dma_start3A_704, %dma_start3A_705, %dma_start3A_706] : memref<2x128x128xf32, #tpu.memory_space<vmem>> -> memref<1x80x128xf32, #tpu.memory_space<vmem>>
      %dma_start3A_708 = tpu.memref_squeeze %dma_start3A_707 : memref<1x80x128xf32, #tpu.memory_space<vmem>> -> memref<80x128xf32, #tpu.memory_space<vmem>>
      %dma_start3A_709 = arith.constant 49920 : i32
      %dma_start3A_710 = arith.constant 0 : i32
      %dma_start3A_711 = tpu.memref_slice %arg4[%dma_start3A_709, %dma_start3A_710] : memref<50000x128xf32, #tpu.memory_space<hbm>> -> memref<80x128xf32, #tpu.memory_space<hbm>>
      %dma_start3A_712 = arith.constant 49920 : i32
      %dma_start3A_713 = arith.constant 0 : i32
      %dma_start3A_714 = tpu.memref_slice %arg4[%dma_start3A_712, %dma_start3A_713] : memref<50000x128xf32, #tpu.memory_space<hbm>> -> memref<80x128xf32, #tpu.memory_space<hbm>>
      %dma_start3A_715 = arith.constant 0 : i32
      %dma_start3A_716 = arith.constant 0 : i32
      %dma_start3A_717 = tpu.memref_slice %arg6[%dma_start3A_704, %dma_start3A_715, %dma_start3A_716] : memref<2x128x128xf32, #tpu.memory_space<vmem>> -> memref<1x80x128xf32, #tpu.memory_space<vmem>>
      %dma_start3A_718 = tpu.memref_squeeze %dma_start3A_717 : memref<1x80x128xf32, #tpu.memory_space<vmem>> -> memref<80x128xf32, #tpu.memory_space<vmem>>
      tpu.enqueue_dma source(%dma_start3A_718 : memref<80x128xf32, #tpu.memory_space<vmem>>) target(%dma_start3A_714 : memref<80x128xf32, #tpu.memory_space<hbm>>) target_semaphore(%arg10 : memref<!tpu.dma_semaphore, #tpu.memory_space<semaphore_mem>>)
      %dma_wait3A_719 = arith.constant 0 : i32
      %dma_wait3A_720 = arith.constant 0 : i32
      %dma_wait3A_721 = arith.constant 0 : i32
      %dma_wait3A_722 = tpu.memref_slice %arg6[%dma_wait3A_719, %dma_wait3A_720, %dma_wait3A_721] : memref<2x128x128xf32, #tpu.memory_space<vmem>> -> memref<1x80x128xf32, #tpu.memory_space<vmem>>
      %dma_wait3A_723 = tpu.memref_squeeze %dma_wait3A_722 : memref<1x80x128xf32, #tpu.memory_space<vmem>> -> memref<80x128xf32, #tpu.memory_space<vmem>>
      %dma_wait3A_724 = arith.constant 49920 : i32
      %dma_wait3A_725 = arith.constant 0 : i32
      %dma_wait3A_726 = tpu.memref_slice %arg4[%dma_wait3A_724, %dma_wait3A_725] : memref<50000x128xf32, #tpu.memory_space<hbm>> -> memref<80x128xf32, #tpu.memory_space<hbm>>
      %dma_wait3A_727 = arith.constant 49920 : i32
      %dma_wait3A_728 = arith.constant 0 : i32
      %dma_wait3A_729 = tpu.memref_slice %arg4[%dma_wait3A_727, %dma_wait3A_728] : memref<50000x128xf32, #tpu.memory_space<hbm>> -> memref<80x128xf32, #tpu.memory_space<hbm>>
      %dma_wait3A_730 = arith.constant 0 : i32
      %dma_wait3A_731 = arith.constant 0 : i32
      %dma_wait3A_732 = tpu.memref_slice %arg6[%dma_wait3A_719, %dma_wait3A_730, %dma_wait3A_731] : memref<2x128x128xf32, #tpu.memory_space<vmem>> -> memref<1x80x128xf32, #tpu.memory_space<vmem>>
      %dma_wait3A_733 = tpu.memref_squeeze %dma_wait3A_732 : memref<1x80x128xf32, #tpu.memory_space<vmem>> -> memref<80x128xf32, #tpu.memory_space<vmem>>
      tpu.wait_dma2 semaphore(%arg10 : memref<!tpu.dma_semaphore, #tpu.memory_space<semaphore_mem>>) src(%dma_wait3A_733 : memref<80x128xf32, #tpu.memory_space<vmem>>) dst(%dma_wait3A_729 : memref<80x128xf32, #tpu.memory_space<hbm>>)
    } else {
    }
    return
  }
}

</mosaic_0001>

<sc_bundles>
// kernel: kernel.3.cloned.1.call-start
scs
__scs_entry_jumppad:
0x0: {  	(pc) =	sbr.rel $0x88, $3  }
0x1: {  	(tag) =	ssettag $0x0;
	lr =	simm.s32 $0x1  }
0x2: {  	[smem:$0x3FA0] =	sst lr;
	_ =	strace $0xD0000000  }
0x3: {  	_ = 	snop  }
0x4: {  	_ = 	snop  }
0x5: {  	_ = 	snop  }
0x6: {  	_ = 	snop  }
0x7: {  	_ = 	snop  }
__scs_overlays_trampoline_lowered:
0x8: {  	[smem:$0x3FAF] =	sst s0  }
0x9: {  	[smem:$0x3FB0] =	sst s1  }
0xa: {  	[smem:$0x3FB1] =	sst s2  }
0xb: {  	[smem:$0x3FB2] =	sst s3  }
0xc: {  	[smem:$0x3FB3] =	sst s4  }
0xd: {  	[smem:$0x3FB4] =	sst s5  }
0xe: {  	[smem:$0x3FB5] =	sst s6  }
0xf: {  	[smem:$0x3FB6] =	sst s7  }
0x10: {  	[smem:$0x3FB7] =	sst s8  }
0x11: {  	[smem:$0x3FB8] =	sst s9;
	s0 =	simm.s32 @!p0 $0x0  }
0x12: {  	s1 =	sld [smem:$0x3F9E];
	s0 =	simm.s32 @p0 $0x1  }
0x13: {  	[smem:$0x3FB9] =	sst s0;
	s0 =	simm.s32 @!p1 $0x0  }
0x14: {  	s2 =	sld [smem:$0x3F9D];
	s0 =	simm.s32 @p1 $0x1  }
0x15: {  	[smem:$0x3FBA] =	sst s0;
	s0 =	simm.s32 @!p2 $0x0  }
0x16: {  	s3 =	sld [smem:$0x3FDB];
	s0 =	simm.s32 @p2 $0x1  }
0x17: {  	s4 =	simm.s32 $0x1BF5;
	[smem:$0x3FBC] =	sst s0  }
0x18: {  	s0 =	sld [smem:$0x3F9F];
	_ =	swait.ge [sflag:s4], $0x0  }
0x19: {  	s7 =	sld [smem:$0x3FA0]  }
0x1a: {  	s8 =	sadd.s32 $0xFFFFE003, lr  }
0x1b: {  	s9 =	sadd.s32 $0xFFFFFEF7, lr;
	s5 =	simm.s32 $0xFFFFFFFF;
	p2 =	slt.u32 s8, $0xFFFFF086  }
0x1c: {  	p1 =	slt.u32 s9, $0xF7A;
	s5 =	simm.s32 @!p2 $0x0  }
0x1d: {  	s5 =	simm.s32 @p1 $0x1;
	p0 =	seq.s32 s7, s2  }
0x1e: {  	s7 =	smul.u32 @!p0 $0xF7A, s2;
	p2 =	seq.s32 @!p0 s5, $0x0  }
0x1f: {  	s9 =	smul.u32 $0xF7A, s1;
	s8 =	simm.s32 @!p0 $0x1BF5;
	p2 =	por !p2, p0  }
0x20: {  	[sflag:s8] =	ssyncset.s32 @!p0 $0xFFFFF086;
	s6 =	sadd.s32 @!p0 s3, s7;
	s7 =	simm.s32 @!p0 $0x108  }
0x21: {  	s3 =	sadd.s32 s3, s9;
	s6 =	sadd.s32 @!p0 $0x88, s6;
	s7 =	simm.s32 @p2 $0x1082  }
0x22: {  	[simem:s7], [sflag:s8] =	dma.local @!p0 [hbm:s6], $0xF7A  }
0x23: {  	s9 =	sor.u32 $0xD0000000, s2;
	s6 =	simm.s32 $0x108;
	_ =	swait.ge @!p0 [sflag:s8], $0x0  }
0x24: {  	s3 =	sadd.s32 $0x88, s3;
	s6 =	simm.s32 @!p1 $0x1082;
	[sflag:s4] =	ssyncset.s32 $0xFFFFF086  }
0x25: {  	[simem:s6], [sflag:s4] =	dma.local [hbm:s3], $0xF7A  }
0x26: {  	[smem:$0x3FA0] =	sst s1;
	(tag) =	ssettag s2;
	_ =	strace s9  }
0x27: {  	s1 =	sld [smem:$0x3FB0]  }
0x28: {  	s2 =	sld [smem:$0x3FB1]  }
0x29: {  	s4 =	sld [smem:$0x3FB3]  }
0x2a: {  	p0 =	seq.s32 s5, $0x0;
	s5 =	sld [smem:$0x3FB4]  }
0x2b: {  	s6 =	sld [smem:$0x3FB5]  }
0x2c: {  	s7 =	sld [smem:$0x3FB6]  }
0x2d: {  	s3 =	simm.s32 $0x108;
	s8 =	sld [smem:$0x3FB7]  }
0x2e: {  	s3 =	simm.s32 @!p0 $0x1082;
	s9 =	sld [smem:$0x3FB8]  }
0x2f: {  	lr =	sadd.s32 s0, s3;
	s0 =	sld [smem:$0x3FAF]  }
0x30: {  	s3 =	sld [smem:$0x3FB2]  }
0x31: {  	[smem:$0x3FBB] =	sst s10  }
0x32: {  	s10 =	sld [smem:$0x3FB9];
	_ =	sdelay $0x3  }
0x33: {  	p0 =	seq.s32 s10, $0x1;
	s10 =	sld [smem:$0x3FBB];
	_ =	sdelay $0x3  }
0x34: {  	[smem:$0x3FBB] =	sst s10  }
0x35: {  	s10 =	sld [smem:$0x3FBA];
	_ =	sdelay $0x3  }
0x36: {  	p1 =	seq.s32 s10, $0x1;
	s10 =	sld [smem:$0x3FBB];
	_ =	sdelay $0x3  }
0x37: {  	[smem:$0x3FBB] =	sst s10  }
0x38: {  	s10 =	sld [smem:$0x3FBC]  }
0x39: {  	_ = 	snop;
	(pc) =	sbr.ind lr, $3  }
0x3a: {  	_ = 	snop  }
0x3b: {  	_ = 	snop  }
0x3c: {  	p2 =	seq.s32 s10, $0x1;
	s10 =	sld [smem:$0x3FBB]  }
0x3d: {  	_ =	shalt  }
0x3e: {  	_ =	shalt  }
0x3f: {  	_ =	shalt  }
0x40: {  	_ =	shalt  }
0x41: {  	_ =	shalt  }
0x42: {  	_ =	shalt  }
0x43: {  	_ =	shalt  }
0x44: {  	_ =	shalt  }
0x45: {  	_ =	shalt  }
0x46: {  	_ =	shalt  }
0x47: {  	_ =	shalt  }
0x48: {  	_ =	shalt  }
0x49: {  	_ =	shalt  }
0x4a: {  	_ =	shalt  }
0x4b: {  	_ =	shalt  }
0x4c: {  	_ =	shalt  }
0x4d: {  	_ =	shalt  }
0x4e: {  	_ =	shalt  }
0x4f: {  	_ =	shalt  }
0x50: {  	_ =	shalt  }
0x51: {  	_ =	shalt  }
0x52: {  	_ =	shalt  }
0x53: {  	_ =	shalt  }
0x54: {  	_ =	shalt  }
0x55: {  	_ =	shalt  }
0x56: {  	_ =	shalt  }
0x57: {  	_ =	shalt  }
0x58: {  	_ =	shalt  }
0x59: {  	_ =	shalt  }
0x5a: {  	_ =	shalt  }
0x5b: {  	_ =	shalt  }
0x5c: {  	_ =	shalt  }
0x5d: {  	_ =	shalt  }
0x5e: {  	_ =	shalt  }
0x5f: {  	_ =	shalt  }
0x60: {  	_ =	shalt  }
0x61: {  	_ =	shalt  }
0x62: {  	_ =	shalt  }
0x63: {  	_ =	shalt  }
0x64: {  	_ =	shalt  }
0x65: {  	_ =	shalt  }
0x66: {  	_ =	shalt  }
0x67: {  	_ =	shalt  }
0x68: {  	_ =	shalt  }
0x69: {  	_ =	shalt  }
0x6a: {  	_ =	shalt  }
0x6b: {  	_ =	shalt  }
0x6c: {  	_ =	shalt  }
0x6d: {  	_ =	shalt  }
0x6e: {  	_ =	shalt  }
0x6f: {  	_ =	shalt  }
0x70: {  	_ =	shalt  }
0x71: {  	_ =	shalt  }
0x72: {  	_ =	shalt  }
0x73: {  	_ =	shalt  }
0x74: {  	_ =	shalt  }
0x75: {  	_ =	shalt  }
0x76: {  	_ =	shalt  }
0x77: {  	_ =	shalt  }
0x78: {  	_ =	shalt  }
0x79: {  	_ =	shalt  }
0x7a: {  	_ =	shalt  }
0x7b: {  	_ =	shalt  }
0x7c: {  	_ =	shalt  }
0x7d: {  	_ =	shalt  }
0x7e: {  	_ =	shalt  }
0x7f: {  	_ =	shalt  }
0x80: {  	_ =	shalt  }
0x81: {  	_ =	shalt  }
0x82: {  	_ =	shalt  }
0x83: {  	_ =	shalt  }
0x84: {  	_ =	shalt  }
0x85: {  	_ =	shalt  }
0x86: {  	_ =	shalt  }
0x87: {  	_ =	shalt  }
.Lfunc_end0:
.L_simem_size_0:
called_computation_lowered:
.L_overlay_start_0:
0x88: {  	s2 =	sld [smem:$0x3FD9]  }
0x89: {  	s3 =	sld [smem:$0x3FFE];
	_ =	sdelay $0x1  }
0x8a: {  	s1 =	srdreg.scid  }
0x8b: {  	s0 =	sand.u32 $0x1, s1  }
0x8c: {  	s17 =	sshll.u32 s0, $0xA;
	s2 =	sadd.s32 s3, s2  }
0x8d: {  	s2 =	sadd.s32 s2, s17  }
0x8e: {  	[smem:$0x3FC7] =	sst s2  }
0x8f: {  	_ = 	snop  }
0x90: {  	s2 =	sld [smem:$0x3FC9]  }
0x91: {  	s18 =	sld [smem:$0x3FD0];
	(tm) =	ssettm $0x1  }
0x92: {  	s4 =	sld [smem:$0x3FFB];
	_ =	sdelay $0x3  }
0x93: {  	_ =	strace s4  }
0x94: {  	s4 =	sld [smem:$0x3FFC];
	_ =	sdelay $0x3  }
0x95: {  	_ =	strace s4  }
0x96: {  	s4 =	sld [smem:$0x3FFD];
	_ =	sdelay $0x3  }
0x97: {  	_ =	strace s4  }
0x98: {  	_ =	strace $0x8FFFFFFF  }
0x99: {  	s19 =	sld [smem:$0x3FDB];
	_ =	sdelay $0x1  }
0x9a: {  	s5 =	simm.s32 $_scs_section_size  }
0x9b: {  	s6 =	simm.s32 $_size__tile_overlayer_lowered;
	s7 =	simm.s32 $_tile_overlayer_lowered  }
0x9c: {  	s22 =	simm.s32 $0x1BFF;
	s21 =	sshll.u32 s7, $0x1;
	s4 =	sadd.s32 s5, s19  }
0x9d: {  	s8 =	simm.s32 $0x0;
	s20 =	sshll.u32 s6, $0x1;
	s6 =	sadd.s32 s21, s4  }
0x9e: {  	[timem:s8], [sflag:s22] =	dma.local [hbm:s6], s20  }
0x9f: {  	_ =	swait.ge [sflag:s22], s20  }
0xa0: {  	s5 =	ssub.s32 $0x0, s20;
	[sflag:s22] =	ssyncset.done $0x0  }
0xa1: {  	[sflag:s22] =	ssyncadd.s32 s5;
	_ =	sdelay $0x1  }
0xa2: {  	s23 =	simm.s32 $0x1B8B  }
0xa3: {  	_ =	swait.ge [sflag:s23], $0x1  }
0xa4: {  	[sflag:s23] =	ssyncset.done $0x0  }
0xa5: {  	s25 =	simm.s32 $0x1B8E;
	s24 =	sld [smem:$0x3FFE];
	[sflag:s23] =	ssyncadd.s32 $0xFFFFFFFF  }
0xa6: {  	s26 =	simm.s32 $execute0_lowered;
	[smem:$0x3FD2] =	sst s25  }
0xa7: {  	s6 =	sshll.u32 s26, $0x1;
	_ =	strace $0x80000046;
	[dreg:$0x1] =	wrdreg $0xFFFFFFFF  }
0xa8: {  	s28 =	simm.s32 $_size_execute0_lowered;
	s4 =	sadd.s32 s4, s6;
	[dreg:$0x0] =	wrdreg $0x0  }
0xa9: {  	s6 =	sshll.u32 s28, $0x1;
	[dreg:$0x2] =	wrdreg s4  }
0xaa: {  	[dreg:$0x3] =	wrdreg s6  }
0xab: {  	[dreg:$0x4] =	wrdreg $0xC0  }
0xac: {  	_ =	task [dreg:s8], $0x5FFFF  }
0xad: {  	[dreg:$0x1] =	wrdreg $0xFFFFFFFF  }
0xae: {  	[dreg:$0x0] =	wrdreg $0x60  }
0xaf: {  	[dreg:$0x2] =	wrdreg s2  }
0xb0: {  	[dreg:$0x3] =	wrdreg s24  }
0xb1: {  	[dreg:$0x4] =	wrdreg s18  }
0xb2: {  	[dreg:$0x5] =	wrdreg $0x9  }
0xb3: {  	_ =	task.clear_ibuf [dreg:s8], $0x6FFFF;
	_ =	strace $0x90000046  }
0xb4: {  	s29 =	simm.s32 $0x9;
	_ =	strace $0x80000048  }
0xb5: {  	_ =	swait.ge [sflag:s29], $0x1  }
0xb6: {  	[sflag:s29] =	ssyncadd.s32 $0xFFFFFFFF  }
0xb7: {  	_ =	strace $0x90000048  }
0xb8: {  	_ =	sfence  }
0xb9: {  	s30 =	sld [smem:$0x0];
	_ =	sdelay $0x2  }
0xba: {  	s31 =	sshll.u32 s1, $0xD;
	s1 =	sshrl.u32 s1, $0x2  }
0xbb: {  	s3 =	sand.u32 $0x4000, s31;
	s1 =	sadd.s32 s1, s30  }
0xbc: {  	s0 =	sor.u32 s3, s0;
	s1 =	sshll.u32 s1, $0x11  }
0xbd: {  	s0 =	sor.u32 s1, s0  }
0xbe: {  	s0 =	sadd.s32 $0x8F2B, s0  }
0xbf: {  	[sflag:s0] =	ssyncadd.remote.s32 $0x1  }
0xc0: {  	_ =	sfence.sel $0xFFFF  }
0xc1: {  	[dreg:$0x0] =	wrdreg $0xFFFFFFFF;
	(pc) =	sbr.abs _section_cstart, $3  }
0xc2: {  	[dreg:$0x1] =	wrdreg $0xFFFFFFFF  }
0xc3: {  	_ =	task.clear_ibuf [dreg:s8], $0x2FFFF;
	_ =	strace $0x9FFFFFFF  }
0xc4: {  	(tm) =	ssettm $0x7FFFFFFF  }
0xc5: {  	_ =	shalt  }
tec
execute0_lowered:
.L_overlay_start_1:
0x0: {  	(tag) =	ssettag $0x1  }
0x1: {  	s2 =	rddreg [dreg:$0x0]  }
0x2: {  	s4 =	rddreg [dreg:$0x1]  }
0x3: {  	s0 =	srdreg.scid;
	s5 =	rddreg [dreg:$0x2]  }
0x4: {  	s21 =	stileid.u32;
	s22 =	rddreg [dreg:$0x3]  }
0x5: {  	s3 =	simm.s32 $0x0;
	s10 =	simm.s32 $0x80;
	s7 =	simm.s32 $0x800  }
0x6: {  	s9 =	simm.s32 $0x2;
	s31 =	simm.s32 $0x100;
	s8 =	simm.s32 $0x3  }
0x7: {  	s11 =	simm.s32 $0x180;
	s0 =	sand.u32 $0x1, s0;
	s1 =	sshll.u32 s21, $0x1  }
0x8: {  	[smem:$0x7FF] =	sst s3;
	s30 =	sadd.s32 $0xC3000, s5;
	s1 =	sor.u32 s0, s1  }
0x9: {  	_ =	strace $0x80000047;
	[dreg:$0x11] =	wrdreg s30;
	s6 =	sshll.u32 s1, $0x8  }
0xa: {  	[dreg:$0x12] =	wrdreg s31;
	s12 =	sshll.u32 s1, $0xB;
	s4 =	sadd.s32 s6, s4  }
0xb: {  	[dreg:$0x13] =	wrdreg s11;
	s16 =	sadd.s32 s5, s12;
	s4 =	sadd.s32 $0x400, s4  }
0xc: {  	p2 =	por $0x0, $0x0;
	s13 =	sadd.s32 $0x10000, s16;
	[dreg:$0x4] =	wrdreg s4  }
0xd: {  	p0 =	sgt.u32 s21, $0x2;
	s14 =	sadd.s32 $0x20000, s16;
	[dreg:$0x5] =	wrdreg s13  }
0xe: {  	s0 =	ssub.s32 $0x2, s0;
	s15 =	sadd.s32 $0x30000, s16;
	[dreg:$0x6] =	wrdreg s14  }
0xf: {  	s11 =	simm.s32 $0x580;
	s17 =	sadd.s32 $0x40000, s16;
	[dreg:$0x7] =	wrdreg s15  }
0x10: {  	s29 =	sshrl.u32 s0, $0x1;
	s18 =	sadd.s32 $0x50000, s16;
	[dreg:$0x8] =	wrdreg s17  }
0x11: {  	p1 =	sne.s32 s1, $0x6;
	s19 =	sadd.s32 $0x60000, s16;
	[dreg:$0x9] =	wrdreg s18  }
0x12: {  	s0 =	ssub.s32 s0, s29;
	s20 =	sadd.s32 $0x70000, s16;
	[dreg:$0xa] =	wrdreg s19  }
0x13: {  	s6 =	simm.s32 $0x4800;
	s23 =	sadd.s32 $0x80000, s16;
	[dreg:$0xb] =	wrdreg s20  }
0x14: {  	s24 =	sadd.s32 $0x90000, s16;
	s0 =	smax.u32 s0, $0x1;
	[dreg:$0xc] =	wrdreg s23  }
0x15: {  	s25 =	sadd.s32 $0xA0000, s16;
	[dreg:$0xd] =	wrdreg s24;
	s0 =	sadd.s32 $0xFFFFFFFF, s0  }
0x16: {  	s26 =	sadd.s32 $0xB0000, s16;
	[dreg:$0xe] =	wrdreg s25;
	p3 =	sne.s32 s0, $0x0  }
.Ltmp0:
0x17: {  	s28 =	sadd.s32 $0xC0000, s16;
	[dreg:$0xf] =	wrdreg s26;
	(pc) =	sbr.rel @!p3 .LBB2_1-.Ltmp0, $4  }
0x18: {  	s5 =	simm.s32 $0x5;
	[dreg:$0x10] =	wrdreg s28;
	s20 =	simm.s32 $0x1  }
0x19: {  	s4 =	simm.s32 $0x4;
	s23 =	simm.s32 $0x200;
	s19 =	simm.s32 $0x280  }
0x1a: {  	s18 =	simm.s32 $0x300;
	s17 =	simm.s32 $0x380;
	s15 =	simm.s32 $0x400  }
0x1b: {  	s14 =	simm.s32 $0x480;
	s13 =	simm.s32 $0x500;
	s12 =	rddreg [dreg:$0x4]  }
0x1c: {  	[tilespmem:s3], [sflag:$0x1] =	stream.linear.gather [hbm4b:s12+s3], $0x680, $0x38;
	[tilespmem:$0x8800] =	vst v63  }
0x1d: {  	_ =	swait.ge [sflag:s20], $0x680  }
0x1e: {  	[sflag:s20] =	ssyncset.done $0x0  }
0x1f: {  	[sflag:s20] =	ssyncadd.s32 $0xFFFFF980  }
0x20: {  	[tilespmem:s7], [sflag:$0x2] =	stream.indirect.gather [hbm4b:s2+s10], $0x80, s3, s10, $0xb8;
	[tilespmem:$0x8800] =	vst v63  }
0x21: {  	_ = 	snop  }
0x22: {  	[tilespmem:s6], [sflag:$0x3] =	stream.indirect.gather [hbm4b:s2+s10], $0x80, s10, s10, $0xb8;
	[tilespmem:$0x8800] =	vst v63  }
0x23: {  	_ =	swait.ge [sflag:s9], $0x4000  }
0x24: {  	[sflag:s9] =	ssyncset.done $0x0  }
0x25: {  	[sflag:s9] =	ssyncadd.s32 $0xFFFFC000  }
0x26: {  	[hbm4b:s16+s3] =	stream.linear.scatter [tilespmem:s7], [sflag:$0x4], $0x4000, $0x38;
	[tilespmem:$0x8800] =	vst v63  }
0x27: {  	_ =	swait.ge [sflag:s4], $0x4000  }
0x28: {  	[sflag:s4] =	ssyncset.done $0x0  }
0x29: {  	s1 =	rddreg [dreg:$0x12];
	[sflag:s4] =	ssyncadd.s32 $0xFFFFC000  }
0x2a: {  	[tilespmem:s7], [sflag:$0x2] =	stream.indirect.gather [hbm4b:s2+s10], $0x80, s1, s10, $0xb8;
	[tilespmem:$0x8800] =	vst v63  }
0x2b: {  	_ =	swait.ge [sflag:s8], $0x4000  }
0x2c: {  	[sflag:s8] =	ssyncset.done $0x0  }
0x2d: {  	s22 =	rddreg [dreg:$0x5];
	[sflag:s8] =	ssyncadd.s32 $0xFFFFC000  }
0x2e: {  	[hbm4b:s22+s3] =	stream.linear.scatter [tilespmem:s6], [sflag:$0x5], $0x4000, $0x38;
	[tilespmem:$0x8800] =	vst v63  }
0x2f: {  	_ =	swait.ge [sflag:s5], $0x4000  }
0x30: {  	[sflag:s5] =	ssyncset.done $0x0  }
0x31: {  	s24 =	rddreg [dreg:$0x13];
	[sflag:s5] =	ssyncadd.s32 $0xFFFFC000  }
0x32: {  	[tilespmem:s6], [sflag:$0x3] =	stream.indirect.gather [hbm4b:s2+s10], $0x80, s24, s10, $0xb8;
	[tilespmem:$0x8800] =	vst v63  }
0x33: {  	_ =	swait.ge [sflag:s9], $0x4000  }
0x34: {  	[sflag:s9] =	ssyncset.done $0x0  }
0x35: {  	s25 =	rddreg [dreg:$0x6];
	[sflag:s9] =	ssyncadd.s32 $0xFFFFC000  }
0x36: {  	[hbm4b:s25+s3] =	stream.linear.scatter [tilespmem:s7], [sflag:$0x4], $0x4000, $0x38;
	[tilespmem:$0x8800] =	vst v63  }
0x37: {  	_ =	swait.ge [sflag:s4], $0x4000  }
0x38: {  	[sflag:s4] =	ssyncset.done $0x0  }
0x39: {  	[sflag:s4] =	ssyncadd.s32 $0xFFFFC000  }
0x3a: {  	[tilespmem:s7], [sflag:$0x2] =	stream.indirect.gather [hbm4b:s2+s10], $0x80, s23, s10, $0xb8;
	[tilespmem:$0x8800] =	vst v63  }
0x3b: {  	_ =	swait.ge [sflag:s8], $0x4000  }
0x3c: {  	[sflag:s8] =	ssyncset.done $0x0  }
0x3d: {  	s26 =	rddreg [dreg:$0x7];
	[sflag:s8] =	ssyncadd.s32 $0xFFFFC000  }
0x3e: {  	[hbm4b:s26+s3] =	stream.linear.scatter [tilespmem:s6], [sflag:$0x5], $0x4000, $0x38;
	[tilespmem:$0x8800] =	vst v63  }
0x3f: {  	_ =	swait.ge [sflag:s5], $0x4000  }
0x40: {  	[sflag:s5] =	ssyncset.done $0x0  }
0x41: {  	[sflag:s5] =	ssyncadd.s32 $0xFFFFC000  }
0x42: {  	[tilespmem:s6], [sflag:$0x3] =	stream.indirect.gather [hbm4b:s2+s10], $0x80, s19, s10, $0xb8;
	[tilespmem:$0x8800] =	vst v63  }
0x43: {  	_ =	swait.ge [sflag:s9], $0x4000  }
0x44: {  	[sflag:s9] =	ssyncset.done $0x0  }
0x45: {  	s12 =	rddreg [dreg:$0x8];
	[sflag:s9] =	ssyncadd.s32 $0xFFFFC000  }
0x46: {  	[hbm4b:s12+s3] =	stream.linear.scatter [tilespmem:s7], [sflag:$0x4], $0x4000, $0x38;
	[tilespmem:$0x8800] =	vst v63  }
0x47: {  	_ =	swait.ge [sflag:s4], $0x4000  }
0x48: {  	[sflag:s4] =	ssyncset.done $0x0  }
0x49: {  	[sflag:s4] =	ssyncadd.s32 $0xFFFFC000  }
0x4a: {  	[tilespmem:s7], [sflag:$0x2] =	stream.indirect.gather [hbm4b:s2+s10], $0x80, s18, s10, $0xb8;
	[tilespmem:$0x8800] =	vst v63  }
0x4b: {  	_ =	swait.ge [sflag:s8], $0x4000  }
0x4c: {  	[sflag:s8] =	ssyncset.done $0x0  }
0x4d: {  	s19 =	rddreg [dreg:$0x9];
	[sflag:s8] =	ssyncadd.s32 $0xFFFFC000  }
0x4e: {  	[hbm4b:s19+s3] =	stream.linear.scatter [tilespmem:s6], [sflag:$0x5], $0x4000, $0x38;
	[tilespmem:$0x8800] =	vst v63  }
0x4f: {  	_ =	swait.ge [sflag:s5], $0x4000  }
0x50: {  	[sflag:s5] =	ssyncset.done $0x0  }
0x51: {  	[sflag:s5] =	ssyncadd.s32 $0xFFFFC000  }
0x52: {  	[tilespmem:s6], [sflag:$0x3] =	stream.indirect.gather [hbm4b:s2+s10], $0x80, s17, s10, $0xb8;
	[tilespmem:$0x8800] =	vst v63  }
0x53: {  	_ =	swait.ge [sflag:s9], $0x4000  }
0x54: {  	[sflag:s9] =	ssyncset.done $0x0  }
0x55: {  	s21 =	rddreg [dreg:$0xa];
	[sflag:s9] =	ssyncadd.s32 $0xFFFFC000  }
0x56: {  	[hbm4b:s21+s3] =	stream.linear.scatter [tilespmem:s7], [sflag:$0x4], $0x4000, $0x38;
	[tilespmem:$0x8800] =	vst v63  }
0x57: {  	_ =	swait.ge [sflag:s4], $0x4000  }
0x58: {  	[sflag:s4] =	ssyncset.done $0x0  }
0x59: {  	[sflag:s4] =	ssyncadd.s32 $0xFFFFC000  }
0x5a: {  	[tilespmem:s7], [sflag:$0x2] =	stream.indirect.gather [hbm4b:s2+s10], $0x80, s15, s10, $0xb8;
	[tilespmem:$0x8800] =	vst v63  }
0x5b: {  	_ =	swait.ge [sflag:s8], $0x4000  }
0x5c: {  	[sflag:s8] =	ssyncset.done $0x0  }
0x5d: {  	s22 =	rddreg [dreg:$0xb];
	[sflag:s8] =	ssyncadd.s32 $0xFFFFC000  }
0x5e: {  	[hbm4b:s22+s3] =	stream.linear.scatter [tilespmem:s6], [sflag:$0x5], $0x4000, $0x38;
	[tilespmem:$0x8800] =	vst v63  }
0x5f: {  	_ =	swait.ge [sflag:s5], $0x4000  }
0x60: {  	[sflag:s5] =	ssyncset.done $0x0  }
0x61: {  	[sflag:s5] =	ssyncadd.s32 $0xFFFFC000  }
0x62: {  	[tilespmem:s6], [sflag:$0x3] =	stream.indirect.gather [hbm4b:s2+s10], $0x80, s14, s10, $0xb8;
	[tilespmem:$0x8800] =	vst v63  }
0x63: {  	_ =	swait.ge [sflag:s9], $0x4000  }
0x64: {  	[sflag:s9] =	ssyncset.done $0x0  }
0x65: {  	s23 =	rddreg [dreg:$0xc];
	[sflag:s9] =	ssyncadd.s32 $0xFFFFC000  }
0x66: {  	[hbm4b:s23+s3] =	stream.linear.scatter [tilespmem:s7], [sflag:$0x4], $0x4000, $0x38;
	[tilespmem:$0x8800] =	vst v63  }
0x67: {  	_ =	swait.ge [sflag:s4], $0x4000  }
0x68: {  	[sflag:s4] =	ssyncset.done $0x0  }
0x69: {  	[sflag:s4] =	ssyncadd.s32 $0xFFFFC000  }
0x6a: {  	[tilespmem:s7], [sflag:$0x2] =	stream.indirect.gather [hbm4b:s2+s10], $0x80, s13, s10, $0xb8;
	[tilespmem:$0x8800] =	vst v63  }
0x6b: {  	_ =	swait.ge [sflag:s8], $0x4000  }
0x6c: {  	[sflag:s8] =	ssyncset.done $0x0  }
0x6d: {  	s24 =	rddreg [dreg:$0xd];
	[sflag:s8] =	ssyncadd.s32 $0xFFFFC000  }
0x6e: {  	[hbm4b:s24+s3] =	stream.linear.scatter [tilespmem:s6], [sflag:$0x5], $0x4000, $0x38;
	[tilespmem:$0x8800] =	vst v63  }
0x6f: {  	_ =	swait.ge [sflag:s5], $0x4000  }
0x70: {  	[sflag:s5] =	ssyncset.done $0x0  }
0x71: {  	[sflag:s5] =	ssyncadd.s32 $0xFFFFC000  }
0x72: {  	[tilespmem:s6], [sflag:$0x3] =	stream.indirect.gather [hbm4b:s2+s10], $0x80, s11, s10, $0xb8;
	[tilespmem:$0x8800] =	vst v63  }
0x73: {  	_ =	swait.ge [sflag:s9], $0x4000  }
0x74: {  	[sflag:s9] =	ssyncset.done $0x0  }
0x75: {  	s25 =	rddreg [dreg:$0xe];
	[sflag:s9] =	ssyncadd.s32 $0xFFFFC000  }
0x76: {  	[hbm4b:s25+s3] =	stream.linear.scatter [tilespmem:s7], [sflag:$0x4], $0x4000, $0x38;
	[tilespmem:$0x8800] =	vst v63  }
0x77: {  	_ =	swait.ge [sflag:s8], $0x4000  }
0x78: {  	[sflag:s8] =	ssyncset.done $0x0  }
0x79: {  	s26 =	rddreg [dreg:$0xf];
	[sflag:s8] =	ssyncadd.s32 $0xFFFFC000  }
0x7a: {  	[hbm4b:s26+s3] =	stream.linear.scatter [tilespmem:s6], [sflag:$0x5], $0x4000, $0x38;
	[tilespmem:$0x8800] =	vst v63  }
0x7b: {  	_ =	swait.ge [sflag:s4], $0x4000  }
0x7c: {  	[sflag:s4] =	ssyncset.done $0x0  }
0x7d: {  	[sflag:s4] =	ssyncadd.s32 $0xFFFFC000  }
0x7e: {  	s28 =	simm.s32 @!p1 $0x800;
	_ =	swait.ge [sflag:s5], $0x4000  }
0x7f: {  	s1 =	simm.s32 @!p0 $0x80;
	s21 =	simm.s32 @!p0 $0x800;
	[sflag:s5] =	ssyncset.done $0x0  }
0x80: {  	s22 =	simm.s32 @!p0 $0x2;
	s11 =	simm.s32 @!p0 $0x600;
	[sflag:s5] =	ssyncadd.s32 $0xFFFFC000  }
0x81: {  	[tilespmem:s21], [sflag:$0x2] =	stream.indirect.gather @!p0 [hbm4b:s2+s1], $0x80, s11, s1, $0xb8;
	[tilespmem:$0x8800] =	vst v63  }
0x82: {  	s29 =	simm.s32 @!p1 $0x2;
	s30 =	simm.s32 @!p1 $0x80;
	_ =	swait.ge @!p0 [sflag:s22], $0x4000  }
0x83: {  	s31 =	simm.s32 @!p1 $0x600;
	s26 =	simm.s32 @!p0 $0x4;
	[sflag:s22] =	ssyncset.done @!p0 $0x0  }
0x84: {  	s11 =	simm.s32 @!p0 $0x0;
	s1 =	rddreg [dreg:$0x10];
	[sflag:s22] =	ssyncadd.s32 @!p0 $0xFFFFC000  }
0x85: {  	[hbm4b:s1+s11] =	stream.linear.scatter @!p0 [tilespmem:s21], [sflag:$0x4], $0x4000, $0x38;
	[tilespmem:$0x8800] =	vst v63  }
0x86: {  	s0 =	sadd.s32 $0xFFFFFFFF, s0;
	p2 =	por $0x1, $0x1;
	_ =	swait.ge @!p0 [sflag:s26], $0x4000  }
0x87: {  	p3 =	sne.s32 s0, $0x0;
	s18 =	simm.s32 $0x380;
	[sflag:s26] =	ssyncset.done @!p0 $0x0  }
0x88: {  	s19 =	simm.s32 $0x300;
	s17 =	simm.s32 $0x400;
	[sflag:s26] =	ssyncadd.s32 @!p0 $0xFFFFC000  }
0x89: {  	[tilespmem:s28], [sflag:$0x2] =	stream.indirect.gather @!p1 [hbm4b:s2+s30], $0x80, s31, s30, $0xb8;
	[tilespmem:$0x8800] =	vst v63  }
0x8a: {  	s15 =	simm.s32 $0x480;
	s14 =	simm.s32 $0x500;
	_ =	swait.ge @!p1 [sflag:s29], $0x4000  }
.Ltmp1:
0x8b: {  	s11 =	simm.s32 @!p1 $0x0;
	[sflag:s29] =	ssyncset.done @!p1 $0x0;
	(pc) =	sbr.rel @!p3 .LBB2_3-.Ltmp1, $4  }
0x8c: {  	s1 =	simm.s32 @!p1 $0x4;
	s12 =	rddreg [dreg:$0x11];
	[sflag:s29] =	ssyncadd.s32 @!p1 $0xFFFFC000  }
0x8d: {  	[hbm4b:s12+s11] =	stream.linear.scatter @!p1 [tilespmem:s28], [sflag:$0x4], $0x2800, $0x38;
	[tilespmem:$0x8800] =	vst v63  }
0x8e: {  	s23 =	simm.s32 $0x280;
	s13 =	simm.s32 $0x580;
	_ =	swait.ge @!p1 [sflag:s1], $0x2800  }
0x8f: {  	s24 =	simm.s32 $0x200;
	s12 =	rddreg [dreg:$0x4];
	[sflag:s1] =	ssyncset.done @!p1 $0x0  }
.LBB2_4:
0x90: {  	[sflag:s1] =	ssyncadd.s32 @!p1 $0xFFFFD800  }
0x91: {  	[tilespmem:s3], [sflag:$0x1] =	stream.linear.gather [hbm4b:s12+s3], $0x680, $0x38;
	[tilespmem:$0x8800] =	vst v63  }
0x92: {  	_ =	swait.ge [sflag:s20], $0x680  }
0x93: {  	[sflag:s20] =	ssyncset.done $0x0  }
0x94: {  	[sflag:s20] =	ssyncadd.s32 $0xFFFFF980  }
0x95: {  	[tilespmem:s7], [sflag:$0x2] =	stream.indirect.gather [hbm4b:s2+s10], $0x80, s3, s10, $0xb8;
	[tilespmem:$0x8800] =	vst v63  }
0x96: {  	_ = 	snop  }
0x97: {  	[tilespmem:s6], [sflag:$0x3] =	stream.indirect.gather [hbm4b:s2+s10], $0x80, s10, s10, $0xb8;
	[tilespmem:$0x8800] =	vst v63  }
0x98: {  	_ =	swait.ge [sflag:s9], $0x4000  }
0x99: {  	[sflag:s9] =	ssyncset.done $0x0  }
0x9a: {  	[sflag:s9] =	ssyncadd.s32 $0xFFFFC000  }
0x9b: {  	[hbm4b:s16+s3] =	stream.linear.scatter [tilespmem:s7], [sflag:$0x4], $0x4000, $0x38;
	[tilespmem:$0x8800] =	vst v63  }
0x9c: {  	_ =	swait.ge [sflag:s4], $0x4000  }
0x9d: {  	[sflag:s4] =	ssyncset.done $0x0  }
0x9e: {  	s25 =	rddreg [dreg:$0x12];
	[sflag:s4] =	ssyncadd.s32 $0xFFFFC000  }
0x9f: {  	[tilespmem:s7], [sflag:$0x2] =	stream.indirect.gather [hbm4b:s2+s10], $0x80, s25, s10, $0xb8;
	[tilespmem:$0x8800] =	vst v63  }
0xa0: {  	_ =	swait.ge [sflag:s8], $0x4000  }
0xa1: {  	[sflag:s8] =	ssyncset.done $0x0  }
0xa2: {  	s25 =	rddreg [dreg:$0x5];
	[sflag:s8] =	ssyncadd.s32 $0xFFFFC000  }
0xa3: {  	[hbm4b:s25+s3] =	stream.linear.scatter [tilespmem:s6], [sflag:$0x5], $0x4000, $0x38;
	[tilespmem:$0x8800] =	vst v63  }
0xa4: {  	_ =	swait.ge [sflag:s5], $0x4000  }
0xa5: {  	[sflag:s5] =	ssyncset.done $0x0  }
0xa6: {  	s25 =	rddreg [dreg:$0x13];
	[sflag:s5] =	ssyncadd.s32 $0xFFFFC000  }
0xa7: {  	[tilespmem:s6], [sflag:$0x3] =	stream.indirect.gather [hbm4b:s2+s10], $0x80, s25, s10, $0xb8;
	[tilespmem:$0x8800] =	vst v63  }
0xa8: {  	_ =	swait.ge [sflag:s9], $0x4000  }
0xa9: {  	[sflag:s9] =	ssyncset.done $0x0  }
0xaa: {  	s25 =	rddreg [dreg:$0x6];
	[sflag:s9] =	ssyncadd.s32 $0xFFFFC000  }
0xab: {  	[hbm4b:s25+s3] =	stream.linear.scatter [tilespmem:s7], [sflag:$0x4], $0x4000, $0x38;
	[tilespmem:$0x8800] =	vst v63  }
0xac: {  	_ =	swait.ge [sflag:s4], $0x4000  }
0xad: {  	[sflag:s4] =	ssyncset.done $0x0  }
0xae: {  	[sflag:s4] =	ssyncadd.s32 $0xFFFFC000  }
0xaf: {  	[tilespmem:s7], [sflag:$0x2] =	stream.indirect.gather [hbm4b:s2+s10], $0x80, s24, s10, $0xb8;
	[tilespmem:$0x8800] =	vst v63  }
0xb0: {  	_ =	swait.ge [sflag:s8], $0x4000  }
0xb1: {  	[sflag:s8] =	ssyncset.done $0x0  }
0xb2: {  	s25 =	rddreg [dreg:$0x7];
	[sflag:s8] =	ssyncadd.s32 $0xFFFFC000  }
0xb3: {  	[hbm4b:s25+s3] =	stream.linear.scatter [tilespmem:s6], [sflag:$0x5], $0x4000, $0x38;
	[tilespmem:$0x8800] =	vst v63  }
0xb4: {  	_ =	swait.ge [sflag:s5], $0x4000  }
0xb5: {  	[sflag:s5] =	ssyncset.done $0x0  }
0xb6: {  	[sflag:s5] =	ssyncadd.s32 $0xFFFFC000  }
0xb7: {  	[tilespmem:s6], [sflag:$0x3] =	stream.indirect.gather [hbm4b:s2+s10], $0x80, s23, s10, $0xb8;
	[tilespmem:$0x8800] =	vst v63  }
0xb8: {  	_ =	swait.ge [sflag:s9], $0x4000  }
0xb9: {  	[sflag:s9] =	ssyncset.done $0x0  }
0xba: {  	s25 =	rddreg [dreg:$0x8];
	[sflag:s9] =	ssyncadd.s32 $0xFFFFC000  }
0xbb: {  	[hbm4b:s25+s3] =	stream.linear.scatter [tilespmem:s7], [sflag:$0x4], $0x4000, $0x38;
	[tilespmem:$0x8800] =	vst v63  }
0xbc: {  	_ =	swait.ge [sflag:s4], $0x4000  }
0xbd: {  	[sflag:s4] =	ssyncset.done $0x0  }
0xbe: {  	[sflag:s4] =	ssyncadd.s32 $0xFFFFC000  }
0xbf: {  	[tilespmem:s7], [sflag:$0x2] =	stream.indirect.gather [hbm4b:s2+s10], $0x80, s19, s10, $0xb8;
	[tilespmem:$0x8800] =	vst v63  }
0xc0: {  	_ =	swait.ge [sflag:s8], $0x4000  }
0xc1: {  	[sflag:s8] =	ssyncset.done $0x0  }
0xc2: {  	s25 =	rddreg [dreg:$0x9];
	[sflag:s8] =	ssyncadd.s32 $0xFFFFC000  }
0xc3: {  	[hbm4b:s25+s3] =	stream.linear.scatter [tilespmem:s6], [sflag:$0x5], $0x4000, $0x38;
	[tilespmem:$0x8800] =	vst v63  }
0xc4: {  	_ =	swait.ge [sflag:s5], $0x4000  }
0xc5: {  	[sflag:s5] =	ssyncset.done $0x0  }
0xc6: {  	[sflag:s5] =	ssyncadd.s32 $0xFFFFC000  }
0xc7: {  	[tilespmem:s6], [sflag:$0x3] =	stream.indirect.gather [hbm4b:s2+s10], $0x80, s18, s10, $0xb8;
	[tilespmem:$0x8800] =	vst v63  }
0xc8: {  	_ =	swait.ge [sflag:s9], $0x4000  }
0xc9: {  	[sflag:s9] =	ssyncset.done $0x0  }
0xca: {  	s25 =	rddreg [dreg:$0xa];
	[sflag:s9] =	ssyncadd.s32 $0xFFFFC000  }
0xcb: {  	[hbm4b:s25+s3] =	stream.linear.scatter [tilespmem:s7], [sflag:$0x4], $0x4000, $0x38;
	[tilespmem:$0x8800] =	vst v63  }
0xcc: {  	_ =	swait.ge [sflag:s4], $0x4000  }
0xcd: {  	[sflag:s4] =	ssyncset.done $0x0  }
0xce: {  	[sflag:s4] =	ssyncadd.s32 $0xFFFFC000  }
0xcf: {  	[tilespmem:s7], [sflag:$0x2] =	stream.indirect.gather [hbm4b:s2+s10], $0x80, s17, s10, $0xb8;
	[tilespmem:$0x8800] =	vst v63  }
0xd0: {  	_ =	swait.ge [sflag:s8], $0x4000  }
0xd1: {  	[sflag:s8] =	ssyncset.done $0x0  }
0xd2: {  	s25 =	rddreg [dreg:$0xb];
	[sflag:s8] =	ssyncadd.s32 $0xFFFFC000  }
0xd3: {  	[hbm4b:s25+s3] =	stream.linear.scatter [tilespmem:s6], [sflag:$0x5], $0x4000, $0x38;
	[tilespmem:$0x8800] =	vst v63  }
0xd4: {  	_ =	swait.ge [sflag:s5], $0x4000  }
0xd5: {  	[sflag:s5] =	ssyncset.done $0x0  }
0xd6: {  	[sflag:s5] =	ssyncadd.s32 $0xFFFFC000  }
0xd7: {  	[tilespmem:s6], [sflag:$0x3] =	stream.indirect.gather [hbm4b:s2+s10], $0x80, s15, s10, $0xb8;
	[tilespmem:$0x8800] =	vst v63  }
0xd8: {  	_ =	swait.ge [sflag:s9], $0x4000  }
0xd9: {  	[sflag:s9] =	ssyncset.done $0x0  }
0xda: {  	s25 =	rddreg [dreg:$0xc];
	[sflag:s9] =	ssyncadd.s32 $0xFFFFC000  }
0xdb: {  	[hbm4b:s25+s3] =	stream.linear.scatter [tilespmem:s7], [sflag:$0x4], $0x4000, $0x38;
	[tilespmem:$0x8800] =	vst v63  }
0xdc: {  	_ =	swait.ge [sflag:s4], $0x4000  }
0xdd: {  	[sflag:s4] =	ssyncset.done $0x0  }
0xde: {  	[sflag:s4] =	ssyncadd.s32 $0xFFFFC000  }
0xdf: {  	[tilespmem:s7], [sflag:$0x2] =	stream.indirect.gather [hbm4b:s2+s10], $0x80, s14, s10, $0xb8;
	[tilespmem:$0x8800] =	vst v63  }
0xe0: {  	_ =	swait.ge [sflag:s8], $0x4000  }
0xe1: {  	[sflag:s8] =	ssyncset.done $0x0  }
0xe2: {  	s25 =	rddreg [dreg:$0xd];
	[sflag:s8] =	ssyncadd.s32 $0xFFFFC000  }
0xe3: {  	[hbm4b:s25+s3] =	stream.linear.scatter [tilespmem:s6], [sflag:$0x5], $0x4000, $0x38;
	[tilespmem:$0x8800] =	vst v63  }
0xe4: {  	_ =	swait.ge [sflag:s5], $0x4000  }
0xe5: {  	[sflag:s5] =	ssyncset.done $0x0  }
0xe6: {  	[sflag:s5] =	ssyncadd.s32 $0xFFFFC000  }
0xe7: {  	[tilespmem:s6], [sflag:$0x3] =	stream.indirect.gather [hbm4b:s2+s10], $0x80, s13, s10, $0xb8;
	[tilespmem:$0x8800] =	vst v63  }
0xe8: {  	_ =	swait.ge [sflag:s9], $0x4000  }
0xe9: {  	[sflag:s9] =	ssyncset.done $0x0  }
0xea: {  	s25 =	rddreg [dreg:$0xe];
	[sflag:s9] =	ssyncadd.s32 $0xFFFFC000  }
0xeb: {  	[hbm4b:s25+s3] =	stream.linear.scatter [tilespmem:s7], [sflag:$0x4], $0x4000, $0x38;
	[tilespmem:$0x8800] =	vst v63  }
0xec: {  	_ =	swait.ge [sflag:s8], $0x4000  }
0xed: {  	[sflag:s8] =	ssyncset.done $0x0  }
0xee: {  	s25 =	rddreg [dreg:$0xf];
	[sflag:s8] =	ssyncadd.s32 $0xFFFFC000  }
0xef: {  	[hbm4b:s25+s3] =	stream.linear.scatter [tilespmem:s6], [sflag:$0x5], $0x4000, $0x38;
	[tilespmem:$0x8800] =	vst v63  }
0xf0: {  	_ =	swait.ge [sflag:s4], $0x4000  }
0xf1: {  	[sflag:s4] =	ssyncset.done $0x0  }
0xf2: {  	[sflag:s4] =	ssyncadd.s32 $0xFFFFC000  }
0xf3: {  	_ =	swait.ge [sflag:s5], $0x4000  }
0xf4: {  	[sflag:s5] =	ssyncset.done $0x0  }
0xf5: {  	s12 =	simm.s32 @!p0 $0x80;
	s25 =	simm.s32 @!p0 $0x600;
	[sflag:s5] =	ssyncadd.s32 $0xFFFFC000  }
0xf6: {  	[tilespmem:s21], [sflag:$0x2] =	stream.indirect.gather @!p0 [hbm4b:s2+s12], $0x80, s25, s12, $0xb8;
	[tilespmem:$0x8800] =	vst v63  }
0xf7: {  	_ =	swait.ge @!p0 [sflag:s22], $0x4000  }
0xf8: {  	[sflag:s22] =	ssyncset.done @!p0 $0x0  }
0xf9: {  	s25 =	simm.s32 @!p0 $0x0;
	s12 =	rddreg [dreg:$0x10];
	[sflag:s22] =	ssyncadd.s32 @!p0 $0xFFFFC000  }
0xfa: {  	[hbm4b:s12+s25] =	stream.linear.scatter @!p0 [tilespmem:s21], [sflag:$0x4], $0x4000, $0x38;
	[tilespmem:$0x8800] =	vst v63  }
0xfb: {  	_ =	swait.ge @!p0 [sflag:s26], $0x4000  }
0xfc: {  	[sflag:s26] =	ssyncset.done @!p0 $0x0  }
0xfd: {  	s0 =	sadd.s32 $0xFFFFFFFF, s0;
	[sflag:s26] =	ssyncadd.s32 @!p0 $0xFFFFC000  }
0xfe: {  	[tilespmem:s28], [sflag:$0x2] =	stream.indirect.gather @!p1 [hbm4b:s2+s30], $0x80, s31, s30, $0xb8;
	[tilespmem:$0x8800] =	vst v63  }
0xff: {  	p3 =	sne.s32 s0, $0x0;
	_ =	swait.ge @!p1 [sflag:s29], $0x4000  }
.Ltmp2:
0x100: {  	[sflag:s29] =	ssyncset.done @!p1 $0x0;
	(pc) =	sbr.rel @p3 .LBB2_4-.Ltmp2, $4  }
0x101: {  	s12 =	rddreg [dreg:$0x11];
	[sflag:s29] =	ssyncadd.s32 @!p1 $0xFFFFC000  }
0x102: {  	[hbm4b:s12+s11] =	stream.linear.scatter @!p1 [tilespmem:s28], [sflag:$0x4], $0x2800, $0x38;
	[tilespmem:$0x8800] =	vst v63  }
0x103: {  	_ =	swait.ge @!p1 [sflag:s1], $0x2800  }
0x104: {  	s12 =	rddreg [dreg:$0x4];
	[sflag:s1] =	ssyncset.done @!p1 $0x0  }
0x105: {  	s21 =	stileid.u32  }
0x106: {  	s22 =	rddreg [dreg:$0x3];
	s11 =	simm.s32 $0x580;
	s13 =	simm.s32 $0x500  }
0x107: {  	s14 =	simm.s32 $0x480;
	s15 =	simm.s32 $0x400;
	s17 =	simm.s32 $0x380  }
0x108: {  	s18 =	simm.s32 $0x300;
	s19 =	simm.s32 $0x280;
	s23 =	simm.s32 $0x200  }
.LBB2_6:
0x109: {  	p2 =	por p1, !p2  }
0x10a: {  	[sflag:s1] =	ssyncadd.s32 @!p2 $0xFFFFD800  }
0x10b: {  	[tilespmem:s3], [sflag:$0x1] =	stream.linear.gather [hbm4b:s12+s3], $0x680, $0x38;
	[tilespmem:$0x8800] =	vst v63  }
0x10c: {  	_ =	swait.ge [sflag:s20], $0x680  }
0x10d: {  	[sflag:s20] =	ssyncset.done $0x0  }
0x10e: {  	[sflag:s20] =	ssyncadd.s32 $0xFFFFF980  }
0x10f: {  	[tilespmem:s7], [sflag:$0x2] =	stream.indirect.gather [hbm4b:s2+s10], $0x80, s3, s10, $0xb8;
	[tilespmem:$0x8800] =	vst v63  }
0x110: {  	_ = 	snop  }
0x111: {  	[tilespmem:s6], [sflag:$0x3] =	stream.indirect.gather [hbm4b:s2+s10], $0x80, s10, s10, $0xb8;
	[tilespmem:$0x8800] =	vst v63  }
0x112: {  	_ =	swait.ge [sflag:s9], $0x4000  }
0x113: {  	[sflag:s9] =	ssyncset.done $0x0  }
0x114: {  	[sflag:s9] =	ssyncadd.s32 $0xFFFFC000  }
0x115: {  	[hbm4b:s16+s3] =	stream.linear.scatter [tilespmem:s7], [sflag:$0x4], $0x4000, $0x38;
	[tilespmem:$0x8800] =	vst v63  }
0x116: {  	_ =	swait.ge [sflag:s4], $0x4000  }
0x117: {  	[sflag:s4] =	ssyncset.done $0x0  }
0x118: {  	s0 =	rddreg [dreg:$0x12];
	[sflag:s4] =	ssyncadd.s32 $0xFFFFC000  }
0x119: {  	[tilespmem:s7], [sflag:$0x2] =	stream.indirect.gather [hbm4b:s2+s10], $0x80, s0, s10, $0xb8;
	[tilespmem:$0x8800] =	vst v63  }
0x11a: {  	_ =	swait.ge [sflag:s8], $0x4000  }
0x11b: {  	[sflag:s8] =	ssyncset.done $0x0  }
0x11c: {  	s1 =	rddreg [dreg:$0x5];
	[sflag:s8] =	ssyncadd.s32 $0xFFFFC000  }
0x11d: {  	[hbm4b:s1+s3] =	stream.linear.scatter [tilespmem:s6], [sflag:$0x5], $0x4000, $0x38;
	[tilespmem:$0x8800] =	vst v63  }
0x11e: {  	_ =	swait.ge [sflag:s5], $0x4000  }
0x11f: {  	[sflag:s5] =	ssyncset.done $0x0  }
0x120: {  	s12 =	rddreg [dreg:$0x13];
	[sflag:s5] =	ssyncadd.s32 $0xFFFFC000  }
0x121: {  	[tilespmem:s6], [sflag:$0x3] =	stream.indirect.gather [hbm4b:s2+s10], $0x80, s12, s10, $0xb8;
	[tilespmem:$0x8800] =	vst v63  }
0x122: {  	_ =	swait.ge [sflag:s9], $0x4000  }
0x123: {  	[sflag:s9] =	ssyncset.done $0x0  }
0x124: {  	s16 =	rddreg [dreg:$0x6];
	[sflag:s9] =	ssyncadd.s32 $0xFFFFC000  }
0x125: {  	[hbm4b:s16+s3] =	stream.linear.scatter [tilespmem:s7], [sflag:$0x4], $0x4000, $0x38;
	[tilespmem:$0x8800] =	vst v63  }
0x126: {  	_ =	swait.ge [sflag:s4], $0x4000  }
0x127: {  	[sflag:s4] =	ssyncset.done $0x0  }
0x128: {  	[sflag:s4] =	ssyncadd.s32 $0xFFFFC000  }
0x129: {  	[tilespmem:s7], [sflag:$0x2] =	stream.indirect.gather [hbm4b:s2+s10], $0x80, s23, s10, $0xb8;
	[tilespmem:$0x8800] =	vst v63  }
0x12a: {  	_ =	swait.ge [sflag:s8], $0x4000  }
0x12b: {  	[sflag:s8] =	ssyncset.done $0x0  }
0x12c: {  	s20 =	rddreg [dreg:$0x7];
	[sflag:s8] =	ssyncadd.s32 $0xFFFFC000  }
0x12d: {  	[hbm4b:s20+s3] =	stream.linear.scatter [tilespmem:s6], [sflag:$0x5], $0x4000, $0x38;
	[tilespmem:$0x8800] =	vst v63  }
0x12e: {  	_ =	swait.ge [sflag:s5], $0x4000  }
0x12f: {  	[sflag:s5] =	ssyncset.done $0x0  }
0x130: {  	[sflag:s5] =	ssyncadd.s32 $0xFFFFC000  }
0x131: {  	[tilespmem:s6], [sflag:$0x3] =	stream.indirect.gather [hbm4b:s2+s10], $0x80, s19, s10, $0xb8;
	[tilespmem:$0x8800] =	vst v63  }
0x132: {  	_ =	swait.ge [sflag:s9], $0x4000  }
0x133: {  	[sflag:s9] =	ssyncset.done $0x0  }
0x134: {  	s23 =	rddreg [dreg:$0x8];
	[sflag:s9] =	ssyncadd.s32 $0xFFFFC000  }
0x135: {  	[hbm4b:s23+s3] =	stream.linear.scatter [tilespmem:s7], [sflag:$0x4], $0x4000, $0x38;
	[tilespmem:$0x8800] =	vst v63  }
0x136: {  	_ =	swait.ge [sflag:s4], $0x4000  }
0x137: {  	[sflag:s4] =	ssyncset.done $0x0  }
0x138: {  	[sflag:s4] =	ssyncadd.s32 $0xFFFFC000  }
0x139: {  	[tilespmem:s7], [sflag:$0x2] =	stream.indirect.gather [hbm4b:s2+s10], $0x80, s18, s10, $0xb8;
	[tilespmem:$0x8800] =	vst v63  }
0x13a: {  	_ =	swait.ge [sflag:s8], $0x4000  }
0x13b: {  	[sflag:s8] =	ssyncset.done $0x0  }
0x13c: {  	s24 =	rddreg [dreg:$0x9];
	[sflag:s8] =	ssyncadd.s32 $0xFFFFC000  }
0x13d: {  	[hbm4b:s24+s3] =	stream.linear.scatter [tilespmem:s6], [sflag:$0x5], $0x4000, $0x38;
	[tilespmem:$0x8800] =	vst v63  }
0x13e: {  	_ =	swait.ge [sflag:s5], $0x4000  }
0x13f: {  	[sflag:s5] =	ssyncset.done $0x0  }
0x140: {  	[sflag:s5] =	ssyncadd.s32 $0xFFFFC000  }
0x141: {  	[tilespmem:s6], [sflag:$0x3] =	stream.indirect.gather [hbm4b:s2+s10], $0x80, s17, s10, $0xb8;
	[tilespmem:$0x8800] =	vst v63  }
0x142: {  	_ =	swait.ge [sflag:s9], $0x4000  }
0x143: {  	[sflag:s9] =	ssyncset.done $0x0  }
0x144: {  	s25 =	rddreg [dreg:$0xa];
	[sflag:s9] =	ssyncadd.s32 $0xFFFFC000  }
0x145: {  	[hbm4b:s25+s3] =	stream.linear.scatter [tilespmem:s7], [sflag:$0x4], $0x4000, $0x38;
	[tilespmem:$0x8800] =	vst v63  }
0x146: {  	_ =	swait.ge [sflag:s4], $0x4000  }
0x147: {  	[sflag:s4] =	ssyncset.done $0x0  }
0x148: {  	[sflag:s4] =	ssyncadd.s32 $0xFFFFC000  }
0x149: {  	[tilespmem:s7], [sflag:$0x2] =	stream.indirect.gather [hbm4b:s2+s10], $0x80, s15, s10, $0xb8;
	[tilespmem:$0x8800] =	vst v63  }
0x14a: {  	_ =	swait.ge [sflag:s8], $0x4000  }
0x14b: {  	[sflag:s8] =	ssyncset.done $0x0  }
0x14c: {  	s26 =	rddreg [dreg:$0xb];
	[sflag:s8] =	ssyncadd.s32 $0xFFFFC000  }
0x14d: {  	[hbm4b:s26+s3] =	stream.linear.scatter [tilespmem:s6], [sflag:$0x5], $0x4000, $0x38;
	[tilespmem:$0x8800] =	vst v63  }
0x14e: {  	_ =	swait.ge [sflag:s5], $0x4000  }
0x14f: {  	[sflag:s5] =	ssyncset.done $0x0  }
0x150: {  	[sflag:s5] =	ssyncadd.s32 $0xFFFFC000  }
0x151: {  	[tilespmem:s6], [sflag:$0x3] =	stream.indirect.gather [hbm4b:s2+s10], $0x80, s14, s10, $0xb8;
	[tilespmem:$0x8800] =	vst v63  }
0x152: {  	_ =	swait.ge [sflag:s9], $0x4000  }
0x153: {  	[sflag:s9] =	ssyncset.done $0x0  }
0x154: {  	s28 =	rddreg [dreg:$0xc];
	[sflag:s9] =	ssyncadd.s32 $0xFFFFC000  }
0x155: {  	[hbm4b:s28+s3] =	stream.linear.scatter [tilespmem:s7], [sflag:$0x4], $0x4000, $0x38;
	[tilespmem:$0x8800] =	vst v63  }
0x156: {  	_ =	swait.ge [sflag:s4], $0x4000  }
0x157: {  	[sflag:s4] =	ssyncset.done $0x0  }
0x158: {  	[sflag:s4] =	ssyncadd.s32 $0xFFFFC000  }
0x159: {  	[tilespmem:s7], [sflag:$0x2] =	stream.indirect.gather [hbm4b:s2+s10], $0x80, s13, s10, $0xb8;
	[tilespmem:$0x8800] =	vst v63  }
0x15a: {  	_ =	swait.ge [sflag:s8], $0x4000  }
0x15b: {  	[sflag:s8] =	ssyncset.done $0x0  }
0x15c: {  	s29 =	rddreg [dreg:$0xd];
	[sflag:s8] =	ssyncadd.s32 $0xFFFFC000  }
0x15d: {  	[hbm4b:s29+s3] =	stream.linear.scatter [tilespmem:s6], [sflag:$0x5], $0x4000, $0x38;
	[tilespmem:$0x8800] =	vst v63  }
0x15e: {  	_ =	swait.ge [sflag:s5], $0x4000  }
0x15f: {  	[sflag:s5] =	ssyncset.done $0x0  }
0x160: {  	[sflag:s5] =	ssyncadd.s32 $0xFFFFC000  }
0x161: {  	[tilespmem:s6], [sflag:$0x3] =	stream.indirect.gather [hbm4b:s2+s10], $0x80, s11, s10, $0xb8;
	[tilespmem:$0x8800] =	vst v63  }
0x162: {  	_ =	swait.ge [sflag:s9], $0x4000  }
0x163: {  	[sflag:s9] =	ssyncset.done $0x0  }
0x164: {  	s30 =	rddreg [dreg:$0xe];
	[sflag:s9] =	ssyncadd.s32 $0xFFFFC000  }
0x165: {  	[hbm4b:s30+s3] =	stream.linear.scatter [tilespmem:s7], [sflag:$0x4], $0x4000, $0x38;
	[tilespmem:$0x8800] =	vst v63  }
0x166: {  	_ =	swait.ge [sflag:s8], $0x4000  }
0x167: {  	[sflag:s8] =	ssyncset.done $0x0  }
0x168: {  	s31 =	rddreg [dreg:$0xf];
	[sflag:s8] =	ssyncadd.s32 $0xFFFFC000  }
0x169: {  	[hbm4b:s31+s3] =	stream.linear.scatter [tilespmem:s6], [sflag:$0x5], $0x4000, $0x38;
	[tilespmem:$0x8800] =	vst v63  }
0x16a: {  	_ =	swait.ge [sflag:s4], $0x4000  }
0x16b: {  	[sflag:s4] =	ssyncset.done $0x0  }
0x16c: {  	[sflag:s4] =	ssyncadd.s32 $0xFFFFC000  }
0x16d: {  	_ =	swait.ge [sflag:s5], $0x4000  }
0x16e: {  	s0 =	simm.s32 @!p0 $0x800;
	s1 =	simm.s32 @!p0 $0x2;
	[sflag:s5] =	ssyncset.done $0x0  }
0x16f: {  	s3 =	simm.s32 @!p0 $0x80;
	s4 =	simm.s32 @!p0 $0x600;
	[sflag:s5] =	ssyncadd.s32 $0xFFFFC000  }
0x170: {  	[tilespmem:s0], [sflag:$0x2] =	stream.indirect.gather @!p0 [hbm4b:s2+s3], $0x80, s4, s3, $0xb8;
	[tilespmem:$0x8800] =	vst v63  }
0x171: {  	_ =	swait.ge @!p0 [sflag:s1], $0x4000  }
0x172: {  	s4 =	simm.s32 @!p0 $0x4;
	[sflag:s1] =	ssyncset.done @!p0 $0x0  }
0x173: {  	s3 =	rddreg [dreg:$0x10];
	[sflag:s1] =	ssyncadd.s32 @!p0 $0xFFFFC000;
	s1 =	simm.s32 @!p0 $0x0  }
0x174: {  	[hbm4b:s3+s1] =	stream.linear.scatter @!p0 [tilespmem:s0], [sflag:$0x4], $0x4000, $0x38;
	[tilespmem:$0x8800] =	vst v63  }
0x175: {  	_ =	swait.ge @!p0 [sflag:s4], $0x4000  }
0x176: {  	s0 =	simm.s32 @!p1 $0x800;
	s1 =	simm.s32 @!p1 $0x2;
	[sflag:s4] =	ssyncset.done @!p0 $0x0  }
0x177: {  	s3 =	simm.s32 @!p1 $0x80;
	[sflag:s4] =	ssyncadd.s32 @!p0 $0xFFFFC000;
	s4 =	simm.s32 @!p1 $0x600  }
0x178: {  	[tilespmem:s0], [sflag:$0x2] =	stream.indirect.gather @!p1 [hbm4b:s2+s3], $0x80, s4, s3, $0xb8;
	[tilespmem:$0x8800] =	vst v63  }
0x179: {  	_ =	swait.ge @!p1 [sflag:s1], $0x4000  }
0x17a: {  	s3 =	simm.s32 @!p1 $0x4;
	[sflag:s1] =	ssyncset.done @!p1 $0x0  }
0x17b: {  	s2 =	rddreg [dreg:$0x11];
	[sflag:s1] =	ssyncadd.s32 @!p1 $0xFFFFC000;
	s1 =	simm.s32 @!p1 $0x0  }
0x17c: {  	[hbm4b:s2+s1] =	stream.linear.scatter @!p1 [tilespmem:s0], [sflag:$0x4], $0x2800, $0x38;
	[tilespmem:$0x8800] =	vst v63  }
0x17d: {  	_ =	swait.ge @!p1 [sflag:s3], $0x2800  }
0x17e: {  	[sflag:s3] =	ssyncset.done @!p1 $0x0  }
0x17f: {  	[sflag:s3] =	ssyncadd.s32 @!p1 $0xFFFFD800  }
0x180: {  	_ =	sfence.sel $0x180000  }
0x181: {  	[bflag:$0x0] =	sbarrier.arrive $0xFFFF  }
0x182: {  	p0 =	sne.s32 s21, $0x0;
	_ =	strace $0x90000047  }
0x183: {  	s0 =	sadd.s32 @!p0 $0x100000, s22;
	[bflag:$0x2] =	sbarrier.arrive $0xFFFF  }
0x184: {  	[sflag:s0] =	ssyncadd.tile.s32 @!p0 $0x1;
	_ =	shalt  }
.LBB2_1:
.Ltmp3:
0x185: {  	(pc) =	sbr.rel .LBB2_6-.Ltmp3, $2  }
0x186: {  	_ =	sdelay $0x2  }
0x187: {  	_ = 	snop  }
.LBB2_3:
.Ltmp4:
0x188: {  	(pc) =	sbr.rel .LBB2_6-.Ltmp4, $4  }
0x189: {  	s21 =	stileid.u32  }
0x18a: {  	s22 =	rddreg [dreg:$0x3];
	s11 =	simm.s32 $0x580;
	s13 =	simm.s32 $0x500  }
0x18b: {  	s14 =	simm.s32 $0x480;
	s15 =	simm.s32 $0x400;
	s17 =	simm.s32 $0x380  }
0x18c: {  	s18 =	simm.s32 $0x300;
	s19 =	simm.s32 $0x280;
	s23 =	simm.s32 $0x200  }
.Lfunc_end2:
_tile_overlayer_lowered:
.L_overlay_start_2:
0x18d: {  	(tag) =	ssettag $0x2  }
0x18e: {  	s0 =	rddreg [dreg:$0x0];
	s2 =	stileid.u32  }
0x18f: {  	s1 =	rddreg [dreg:$0x1];
	p0 =	sne.s32 s2, $0x0  }
0x190: {  	s3 =	rddreg [dreg:$0x2];
	[bflag:$0x3] =	sbarrier.arrive $0xFFFF;
	s2 =	simm.s32 @!p0 $0x1C06  }
0x191: {  	[timem:s3], [sflag:s2] =	dma.local @!p0 [hbm:s0], s1  }
0x192: {  	s0 =	simm.s32 @!p0 $0x6  }
0x193: {  	_ =	swait.ge @!p0 [sflag:s0], s1  }
0x194: {  	s1 =	ssub.s32 @!p0 $0x0, s1;
	[sflag:s0] =	ssyncset.done @!p0 $0x0  }
0x195: {  	[sflag:s0] =	ssyncadd.s32 @!p0 s1  }
0x196: {  	[bflag:$0x3] =	sbarrier.arrive $0xFFFF  }
0x197: {  	_ =	shalt  }

</sc_bundles>
